<compile_context>
chip_gen: v7x
topology: tpu7x:2x2x1
jax: 0.10.2.dev20260603
libtpu: 0.0.44.dev20260713+nightly
codegen_flags: <defaults>
</compile_context>

<pallas_src>
import functools

import jax
import jax.numpy as jnp
from jax import lax
from jax.experimental import pallas as pl
from jax.experimental.pallas import tpu as pltpu
from jax.experimental.pallas import tpu_sc as plsc

N = 10000
E = 320000
D = 128
C = 10
G = 64

NPAD = 10240
NC, NS = 2, 16
NW = NC * NS
CHUNK = 128
NCHUNKS = E // CHUNK
ROWS_PER_SUB = NPAD // NS
BLK = 1000
GRID = N // BLK

_mesh = plsc.VectorSubcoreMesh(core_axis_name="c", subcore_axis_name="s")


def _worker_id():
    return lax.axis_index("s") * NC + lax.axis_index("c")


def _num_chunks(w):
    return (NCHUNKS - w + NW - 1) // NW


@functools.partial(
    pl.kernel,
    out_type=jax.ShapeDtypeStruct((NC * NPAD,), jnp.float32),
    mesh=_mesh,
    scratch_types=[
        pltpu.VMEM((CHUNK,), jnp.int32),
        pltpu.VMEM((CHUNK,), jnp.float32),
        pltpu.VMEM((ROWS_PER_SUB,), jnp.float32),
        pltpu.VMEM_SHARED((NPAD,), jnp.float32),
    ],
)
def _sc_degree(dst_hbm, out_hbm, idx_v, ones_v, zbuf_v, cnt_sh):
    cid = lax.axis_index("c")
    sid = lax.axis_index("s")
    w = _worker_id()

    def fill(i, _):
        zbuf_v[pl.ds(i * 16, 16)] = jnp.zeros((16,), jnp.float32)
        ones_v[pl.ds((i % 8) * 16, 16)] = jnp.full((16,), 1.0, jnp.float32)
        return 0

    lax.fori_loop(0, ROWS_PER_SUB // 16, fill, 0)
    pltpu.sync_copy(zbuf_v, cnt_sh.at[pl.ds(sid * ROWS_PER_SUB, ROWS_PER_SUB)])
    plsc.subcore_barrier()

    def body(i, _):
        base = (w + i * NW) * CHUNK
        pltpu.sync_copy(dst_hbm.at[pl.ds(base, CHUNK)], idx_v)
        pltpu.sync_copy(ones_v, cnt_sh.at[idx_v], add=True)
        return 0

    lax.fori_loop(0, _num_chunks(w), body, 0)
    plsc.subcore_barrier()
    pltpu.sync_copy(
        cnt_sh.at[pl.ds(sid * ROWS_PER_SUB, ROWS_PER_SUB)],
        out_hbm.at[pl.ds(cid * NPAD + sid * ROWS_PER_SUB, ROWS_PER_SUB)],
    )


@functools.partial(
    pl.kernel,
    out_type=jax.ShapeDtypeStruct((NC * NPAD, D), jnp.float32),
    mesh=_mesh,
    scratch_types=[
        pltpu.VMEM((CHUNK,), jnp.int32),
        pltpu.VMEM((CHUNK,), jnp.int32),
        pltpu.VMEM((CHUNK, D), jnp.float32),
        pltpu.VMEM((CHUNK, D), jnp.float32),
        pltpu.VMEM_SHARED((NPAD, D), jnp.float32),
        pltpu.SemaphoreType.DMA,
    ],
)
def _sc_msgpass(y_hbm, src_hbm, dst_hbm, out_hbm,
                sidx_v, didx_v, rows_v, zbuf_v, acc_sh, sem):
    cid = lax.axis_index("c")
    sid = lax.axis_index("s")
    w = _worker_id()

    def fill(r, _):
        for c8 in range(D // 16):
            zbuf_v[r, pl.ds(c8 * 16, 16)] = jnp.zeros((16,), jnp.float32)
        return 0

    lax.fori_loop(0, CHUNK, fill, 0)
    for k in range(ROWS_PER_SUB // CHUNK):
        pltpu.sync_copy(
            zbuf_v, acc_sh.at[pl.ds(sid * ROWS_PER_SUB + k * CHUNK, CHUNK)])
    plsc.subcore_barrier()

    def body(i, _):
        base = (w + i * NW) * CHUNK
        pltpu.sync_copy(src_hbm.at[pl.ds(base, CHUNK)], sidx_v)
        pltpu.sync_copy(dst_hbm.at[pl.ds(base, CHUNK)], didx_v)
        pltpu.async_copy(y_hbm.at[sidx_v], rows_v, sem).wait()
        pltpu.sync_copy(rows_v, acc_sh.at[didx_v], add=True)
        return 0

    lax.fori_loop(0, _num_chunks(w), body, 0)
    plsc.subcore_barrier()
    for k in range(ROWS_PER_SUB // CHUNK):
        pltpu.sync_copy(
            acc_sh.at[pl.ds(sid * ROWS_PER_SUB + k * CHUNK, CHUNK)],
            out_hbm.at[pl.ds(cid * NPAD + sid * ROWS_PER_SUB + k * CHUNK,
                             CHUNK)],
        )


def _tc1_body(c0_ref, c1_ref, x_ref, w1_ref, y1_ref, dinv_ref):
    deg = c0_ref[...] + c1_ref[...] + 1.0
    dinv = lax.rsqrt(deg)
    xw = jnp.dot(x_ref[...], w1_ref[...], preferred_element_type=jnp.float32)
    y1_ref[...] = xw * dinv
    dinv_ref[...] = dinv


def _tc2_body(s1a_ref, s1b_ref, y1_ref, dinv_ref, b1_ref, w2_ref, y2_ref):
    dinv = dinv_ref[...]
    agg = s1a_ref[...] + s1b_ref[...] + y1_ref[...]
    h = jnp.maximum(agg * dinv + b1_ref[...], 0.0)
    y2_ref[...] = jnp.dot(h, w2_ref[...],
                          preferred_element_type=jnp.float32) * dinv


def _tc3a_body(s2a_ref, s2b_ref, y2_ref, dinv_ref, b2_ref, h2_ref, st_ref):
    i = pl.program_id(0)
    agg = s2a_ref[...] + s2b_ref[...] + y2_ref[...]
    h2 = jnp.maximum(agg * dinv_ref[...] + b2_ref[...], 0.0)
    h2_ref[...] = h2
    st = jnp.concatenate(
        [jnp.sum(h2, 0, keepdims=True), jnp.sum(h2 * h2, 0, keepdims=True)], 0)

    @pl.when(i == 0)
    def _():
        st_ref[...] = st

    @pl.when(i > 0)
    def _():
        st_ref[...] += st


def _tc3b_body(h2_ref, bat_ref, st_ref, g2_ref, beta2_ref, wfc_ref, bfc_ref,
               out_ref, pooled_s, cnt_s):
    i = pl.program_id(0)
    m = st_ref[0:1, :] * (1.0 / N)
    v = st_ref[1:2, :] * (1.0 / N) - m * m
    h2n = jnp.maximum(
        (h2_ref[...] - m) * lax.rsqrt(v + 1e-5) * g2_ref[...] + beta2_ref[...],
        0.0)
    oh = (bat_ref[...] == lax.broadcasted_iota(jnp.int32, (BLK, G), 1)
          ).astype(jnp.float32)
    p = lax.dot_general(oh, h2n, (((0,), (0,)), ((), ())),
                        preferred_element_type=jnp.float32)
    c = lax.dot_general(oh, jnp.ones((BLK, D), jnp.float32),
                        (((0,), (0,)), ((), ())),
                        preferred_element_type=jnp.float32)

    @pl.when(i == 0)
    def _():
        pooled_s[...] = p
        cnt_s[...] = c

    @pl.when(i > 0)
    def _():
        pooled_s[...] += p
        cnt_s[...] += c

    @pl.when(i == pl.num_programs(0) - 1)
    def _():
        pm = pooled_s[...] / jnp.maximum(cnt_s[...], 1.0)
        logits = jnp.dot(pm, wfc_ref[...],
                         preferred_element_type=jnp.float32) + bfc_ref[...]
        mx = jnp.max(logits, axis=1, keepdims=True)
        lse = jnp.log(jnp.sum(jnp.exp(logits - mx), 1, keepdims=True)) + mx
        out_ref[...] = logits - lse


def _row_spec(shape):
    return pl.BlockSpec(shape, lambda i: (i, 0))


def _const_spec(shape):
    return pl.BlockSpec(shape, lambda i: (0, 0))


def kernel(x, edge_index, batch, W1, b1, W2, b2, g2, beta2, Wfc, bfc):
    src = edge_index[0]
    dst = edge_index[1]

    cnt = _sc_degree(dst)
    c0 = cnt[:N].reshape(N, 1)
    c1 = cnt[NPAD:NPAD + N].reshape(N, 1)

    y1, dinv = pl.pallas_call(
        _tc1_body,
        grid=(GRID,),
        in_specs=[_row_spec((BLK, 1)), _row_spec((BLK, 1)),
                  _row_spec((BLK, D)), _const_spec((D, D))],
        out_specs=[_row_spec((BLK, D)), _row_spec((BLK, 1))],
        out_shape=[jax.ShapeDtypeStruct((N, D), jnp.float32),
                   jax.ShapeDtypeStruct((N, 1), jnp.float32)],
    )(c0, c1, x, W1)

    s1 = _sc_msgpass(y1, src, dst)

    y2 = pl.pallas_call(
        _tc2_body,
        grid=(GRID,),
        in_specs=[_row_spec((BLK, D)), _row_spec((BLK, D)),
                  _row_spec((BLK, D)), _row_spec((BLK, 1)),
                  _const_spec((1, D)), _const_spec((D, D))],
        out_specs=_row_spec((BLK, D)),
        out_shape=jax.ShapeDtypeStruct((N, D), jnp.float32),
    )(s1[:N], s1[NPAD:NPAD + N], y1, dinv, b1.reshape(1, D), W2)

    s2 = _sc_msgpass(y2, src, dst)

    h2, st = pl.pallas_call(
        _tc3a_body,
        grid=(GRID,),
        in_specs=[_row_spec((BLK, D)), _row_spec((BLK, D)),
                  _row_spec((BLK, D)), _row_spec((BLK, 1)),
                  _const_spec((1, D))],
        out_specs=[_row_spec((BLK, D)), _const_spec((2, D))],
        out_shape=[jax.ShapeDtypeStruct((N, D), jnp.float32),
                   jax.ShapeDtypeStruct((2, D), jnp.float32)],
    )(s2[:N], s2[NPAD:NPAD + N], y2, dinv, b2.reshape(1, D))

    out = pl.pallas_call(
        _tc3b_body,
        grid=(GRID,),
        in_specs=[_row_spec((BLK, D)), _row_spec((BLK, 1)),
                  _const_spec((2, D)), _const_spec((1, D)),
                  _const_spec((1, D)), _const_spec((D, C)),
                  _const_spec((1, C))],
        out_specs=_const_spec((G, C)),
        out_shape=jax.ShapeDtypeStruct((G, C), jnp.float32),
        scratch_shapes=[pltpu.VMEM((G, D), jnp.float32),
                        pltpu.VMEM((G, D), jnp.float32)],
    )(h2, batch.reshape(N, 1), st, g2.reshape(1, D), beta2.reshape(1, D),
      Wfc, bfc.reshape(1, C))

    return out

# --- scband reference (transcript-rebuilt; emitter-appended) ---
"""Pipeline reference for scband-graph-classifier-79293686219286 (READ-ONLY COPY).

The authoritative reference and input builder live on the scoring server;
editing this copy changes nothing except your own understanding.
"""

import jax, jax.numpy as jnp
import numpy as np

N = 10000
E = 320000
D = 128
C = 10
G = 64


def setup_inputs(seed: int = 0) -> dict:
    key = jax.random.key(seed)
    ks = jax.random.split(key, 12)
    x = jax.random.normal(ks[0], (N, D), dtype=jnp.float32)
    edge_index = jax.random.randint(ks[1], (2, E), 0, N, dtype=jnp.int32)
    batch = jnp.sort(jax.random.randint(ks[2], (N,), 0, G, dtype=jnp.int32))
    s = 1.0 / np.sqrt(D)
    W1 = jax.random.uniform(ks[3], (D, D), jnp.float32, -s, s)
    b1 = jax.random.uniform(ks[4], (D,), jnp.float32, -s, s)
    W2 = jax.random.uniform(ks[5], (D, D), jnp.float32, -s, s)
    b2 = jax.random.uniform(ks[6], (D,), jnp.float32, -s, s)
    g2 = jnp.ones((D,), jnp.float32)
    beta2 = jnp.zeros((D,), jnp.float32)
    Wfc = jax.random.uniform(ks[7], (D, C), jnp.float32, -s, s)
    bfc = jax.random.uniform(ks[8], (C,), jnp.float32, -s, s)
    return {"x": x, "edge_index": edge_index, "batch": batch, "W1": W1, "b1": b1,
            "W2": W2, "b2": b2, "g2": g2, "beta2": beta2, "Wfc": Wfc, "bfc": bfc}


def _gcn_conv(x, edge_index, W, b):
    loop = jnp.arange(N, dtype=edge_index.dtype)
    src = jnp.concatenate([edge_index[0], loop])
    dst = jnp.concatenate([edge_index[1], loop])
    deg = jnp.zeros((N,), x.dtype).at[dst].add(1.0)
    dinv = jnp.where(deg > 0, jax.lax.rsqrt(jnp.maximum(deg, 1e-12)), 0.0)
    norm = dinv[src] * dinv[dst]
    xw = x @ W
    msg = xw[src] * norm[:, None]
    out = jax.ops.segment_sum(msg, dst, num_segments=N)
    return out + b


def _batch_norm(x, gamma, beta, eps=1e-5):
    m = jnp.mean(x, axis=0)
    v = jnp.mean((x - m) ** 2, axis=0)
    return (x - m) * jax.lax.rsqrt(v + eps) * gamma + beta


def _global_mean_pool(x, batch):
    s = jax.ops.segment_sum(x, batch, num_segments=G)
    cnt = jax.ops.segment_sum(jnp.ones((x.shape[0],), x.dtype), batch, num_segments=G)
    return s / jnp.maximum(cnt, 1.0)[:, None]


def reference(x, edge_index, batch, W1, b1, W2, b2, g2, beta2, Wfc, bfc):
    h = jax.nn.relu(_gcn_conv(x, edge_index, W1, b1))
    # network: [GCNConv, BatchNorm1d, ReLU]; GCNConv outputs are relu'd in the loop
    h = jax.nn.relu(_gcn_conv(h, edge_index, W2, b2))
    h = _batch_norm(h, g2, beta2)
    h = jax.nn.relu(h)
    pooled = _global_mean_pool(h, batch)
    logits = pooled @ Wfc + bfc
    return jax.nn.log_softmax(logits, axis=1)

if __name__ == "__main__":
    import jax
    _d = setup_inputs()
    print(jax.jit(kernel)(*tuple(_d.values())))

</pallas_src>

<mosaic_0001>
#map = affine_map<(d0, d1) -> (0)>
module attributes {stable_mosaic.version = 14 : i64} {
  func.func @_sc_degree(%arg0: i32, %arg1: i32, %arg2: memref<320000xi32, #tpu.memory_space<hbm>>, %arg3: memref<20480xf32, #tpu.memory_space<hbm>>, %arg4: memref<128xi32, #tpu.memory_space<vmem>>, %arg5: memref<128xf32, #tpu.memory_space<vmem>>, %arg6: memref<640xf32, #tpu.memory_space<vmem>>, %arg7: memref<10240xf32, #tpu.memory_space<vmem_shared>>) attributes {dimension_semantics = [#tpu.dimension_semantics<core_parallel>, #tpu.dimension_semantics<subcore_parallel>], iteration_bounds = array<i64: 2, 16>, scalar_prefetch = 0 : i64, scratch_operands = 4 : i64, tpu.core_type = #tpu.core_type<sc_vector_subcore>, window_params = [{transform_indices = #map}, {transform_indices = #map}]} {
    %mul3A = arith.constant 2 : i32
    %mul3A_0 = arith.muli %arg1, %mul3A : i32
    %add3A = arith.addi %mul3A_0, %arg0 : i32
    %scan3A = arith.constant 0 : i32
    %scan3A_1 = arith.constant 0 : i32
    %scan3A_2 = arith.constant 40 : i32
    %scan3A_3 = arith.addi %scan3A_1, %scan3A_2 : i32
    %scan3A_4 = arith.constant 1 : i32
    %scan3A_5 = scf.for %scan3A_50 = %scan3A_1 to %scan3A_3 step %scan3A_4 iter_args(%scan3A_51 = %scan3A) -> (i32)  : i32 {
      %broadcast_in_dim3A = arith.constant 0.000000e+00 : f32
      %broadcast_in_dim3A_52 = vector.broadcast %broadcast_in_dim3A : f32 to vector<16xf32>
      %mul3A_53 = arith.constant 16 : i32
      %mul3A_54 = arith.muli %scan3A_50, %mul3A_53 : i32
      %swap3A = arith.index_cast %mul3A_54 : i32 to index
      %swap3A_55 = tpu.vector_load %arg6[%swap3A] {strides = array<i32>} : memref<640xf32, #tpu.memory_space<vmem>>, vector<16xf32>,
      %swap3A_56 = vector.shape_cast %swap3A_55 : vector<16xf32> to vector<16xf32>
      %swap3A_57 = vector.shape_cast %broadcast_in_dim3A_52 : vector<16xf32> to vector<16xf32>
      tpu.vector_store %arg6[%swap3A], %swap3A_57 {strides = array<i32>} : memref<640xf32, #tpu.memory_space<vmem>>, vector<16xf32>,
      %broadcast_in_dim3A_58 = arith.constant 1.000000e+00 : f32
      %broadcast_in_dim3A_59 = vector.broadcast %broadcast_in_dim3A_58 : f32 to vector<16xf32>
      %jit3A_60 = arith.constant 8 : i32
      %eq3A = arith.constant 0 : i32
      %eq3A_61 = arith.cmpi eq, %jit3A_60, %eq3A : i32
      %jit3A_62 = arith.constant 1 : i32
      %select_n3A_63 = arith.select %eq3A_61, %jit3A_62, %jit3A_60 : i32
      %rem3A_64 = arith.remsi %scan3A_50, %select_n3A_63 : i32
      %ne3A_65 = arith.constant 0 : i32
      %ne3A_66 = arith.cmpi ne, %rem3A_64, %ne3A_65 : i32
      %lt3A = arith.constant 0 : i32
      %lt3A_67 = arith.cmpi slt, %rem3A_64, %lt3A : i32
      %lt3A_68 = arith.constant 0 : i32
      %lt3A_69 = arith.cmpi slt, %select_n3A_63, %lt3A_68 : i32
      %ne3A_70 = arith.xori %lt3A_67, %lt3A_69 : i1
      %and3A_71 = arith.andi %ne3A_70, %ne3A_66 : i1
      %add3A_72 = arith.addi %rem3A_64, %select_n3A_63 : i32
      %select_n3A_73 = arith.select %and3A_71, %add3A_72, %rem3A_64 : i32
      %mul3A_74 = arith.constant 16 : i32
      %mul3A_75 = arith.muli %select_n3A_73, %mul3A_74 : i32
      %swap3A_76 = arith.index_cast %mul3A_75 : i32 to index
      %swap3A_77 = tpu.vector_load %arg5[%swap3A_76] {strides = array<i32>} : memref<128xf32, #tpu.memory_space<vmem>>, vector<16xf32>,
      %swap3A_78 = vector.shape_cast %swap3A_77 : vector<16xf32> to vector<16xf32>
      %swap3A_79 = vector.shape_cast %broadcast_in_dim3A_59 : vector<16xf32> to vector<16xf32>
      tpu.vector_store %arg5[%swap3A_76], %swap3A_79 {strides = array<i32>} : memref<128xf32, #tpu.memory_space<vmem>>, vector<16xf32>,
      %scan3A_80 = arith.constant 0 : i32
      scf.yield %scan3A_80 : i32
    }
    %scan3A_6 = arith.constant 40 : i32
    %mul3A_7 = arith.constant 640 : i32
    %mul3A_8 = arith.muli %arg1, %mul3A_7 : i32
    "tpu.region"() ({
      %run_scoped3A = tpu.sem_alloc : memref<!tpu.dma_semaphore, #tpu.memory_space<semaphore_mem>>
      %dma_start3A = tpu.memref_slice %arg7[%mul3A_8] : memref<10240xf32, #tpu.memory_space<vmem_shared>> -> memref<640xf32, #tpu.memory_space<vmem_shared>>
      %dma_start3A_50 = tpu.memref_slice %arg7[%mul3A_8] : memref<10240xf32, #tpu.memory_space<vmem_shared>> -> memref<640xf32, #tpu.memory_space<vmem_shared>>
      tpu.enqueue_dma source(%arg6 : memref<640xf32, #tpu.memory_space<vmem>>) target(%dma_start3A_50 : memref<640xf32, #tpu.memory_space<vmem_shared>>) target_semaphore(%run_scoped3A : memref<!tpu.dma_semaphore, #tpu.memory_space<semaphore_mem>>)
      %dma_wait3A = tpu.memref_slice %arg7[%mul3A_8] : memref<10240xf32, #tpu.memory_space<vmem_shared>> -> memref<640xf32, #tpu.memory_space<vmem_shared>>
      %dma_wait3A_51 = tpu.memref_slice %arg7[%mul3A_8] : memref<10240xf32, #tpu.memory_space<vmem_shared>> -> memref<640xf32, #tpu.memory_space<vmem_shared>>
      tpu.wait_dma2 semaphore(%run_scoped3A : memref<!tpu.dma_semaphore, #tpu.memory_space<semaphore_mem>>) src(%arg6 : memref<640xf32, #tpu.memory_space<vmem>>) dst(%dma_wait3A_51 : memref<640xf32, #tpu.memory_space<vmem_shared>>)
      tpu.yield
    }) : () -> ()
    %barrier3A = arith.constant 0 : index
    tpu.barrier barrier_id(%barrier3A)
    %sub3A = arith.constant 2500 : i32
    %sub3A_9 = arith.subi %sub3A, %add3A : i32
    %add3A_10 = arith.constant 32 : i32
    %add3A_11 = arith.addi %sub3A_9, %add3A_10 : i32
    %sub3A_12 = arith.constant 1 : i32
    %sub3A_13 = arith.subi %add3A_11, %sub3A_12 : i32
    %jit3A = arith.constant 32 : i32
    %div3A = arith.divsi %sub3A_13, %jit3A : i32
    %sign3A = arith.constant 0 : i32
    %sign3A_14 = arith.cmpi sgt, %sub3A_13, %sign3A : i32
    %sign3A_15 = arith.extui %sign3A_14 : i1 to i32
    %sign3A_16 = arith.constant 0 : i32
    %sign3A_17 = arith.cmpi slt, %sub3A_13, %sign3A_16 : i32
    %sign3A_18 = arith.extui %sign3A_17 : i1 to i32
    %sign3A_19 = arith.subi %sign3A_15, %sign3A_18 : i32
    %sign3A_20 = arith.constant 0 : i32
    %sign3A_21 = arith.cmpi sgt, %jit3A, %sign3A_20 : i32
    %sign3A_22 = arith.extui %sign3A_21 : i1 to i32
    %sign3A_23 = arith.constant 0 : i32
    %sign3A_24 = arith.cmpi slt, %jit3A, %sign3A_23 : i32
    %sign3A_25 = arith.extui %sign3A_24 : i1 to i32
    %sign3A_26 = arith.subi %sign3A_22, %sign3A_25 : i32
    %ne3A = arith.cmpi ne, %sign3A_19, %sign3A_26 : i32
    %rem3A = arith.remsi %sub3A_13, %jit3A : i32
    %ne3A_27 = arith.constant 0 : i32
    %ne3A_28 = arith.cmpi ne, %rem3A, %ne3A_27 : i32
    %and3A = arith.andi %ne3A, %ne3A_28 : i1
    %sub3A_29 = arith.constant 1 : i32
    %sub3A_30 = arith.subi %div3A, %sub3A_29 : i32
    %select_n3A = arith.select %and3A, %sub3A_30, %div3A : i32
    %while3A = arith.constant 0 : i32
    %while3A_31 = arith.constant 0 : i32
    %while3A_32 = arith.subi %select_n3A, %while3A : i32
    %while3A_33 = arith.addi %while3A, %while3A_32 : i32
    %while3A_34 = arith.constant 1 : i32
    %while3A_35 = arith.divsi %while3A_32, %while3A_34 : i32
    %while3A_36 = arith.muli %while3A_35, %while3A_34 : i32
    %while3A_37 = arith.addi %while3A, %while3A_36 : i32
    %while3A_38 = arith.constant 1 : i32
    %while3A_39 = scf.for %while3A_50 = %while3A to %while3A_37 step %while3A_38 iter_args(%while3A_51 = %while3A_31) -> (i32)  : i32 {
      %mul3A_52 = arith.constant 32 : i32
      %mul3A_53 = arith.muli %while3A_50, %mul3A_52 : i32
      %add3A_54 = arith.addi %add3A, %mul3A_53 : i32
      %mul3A_55 = arith.constant 128 : i32
      %mul3A_56 = arith.muli %add3A_54, %mul3A_55 : i32
      "tpu.region"() ({
        %run_scoped3A = tpu.sem_alloc : memref<!tpu.dma_semaphore, #tpu.memory_space<semaphore_mem>>
        %dma_start3A = tpu.memref_slice %arg2[%mul3A_56] : memref<320000xi32, #tpu.memory_space<hbm>> -> memref<128xi32, #tpu.memory_space<hbm>>
        %dma_start3A_58 = tpu.memref_slice %arg2[%mul3A_56] : memref<320000xi32, #tpu.memory_space<hbm>> -> memref<128xi32, #tpu.memory_space<hbm>>
        tpu.enqueue_dma source(%dma_start3A_58 : memref<128xi32, #tpu.memory_space<hbm>>) target(%arg4 : memref<128xi32, #tpu.memory_space<vmem>>) target_semaphore(%run_scoped3A : memref<!tpu.dma_semaphore, #tpu.memory_space<semaphore_mem>>)
        %dma_wait3A = tpu.memref_slice %arg2[%mul3A_56] : memref<320000xi32, #tpu.memory_space<hbm>> -> memref<128xi32, #tpu.memory_space<hbm>>
        %dma_wait3A_59 = tpu.memref_slice %arg2[%mul3A_56] : memref<320000xi32, #tpu.memory_space<hbm>> -> memref<128xi32, #tpu.memory_space<hbm>>
        tpu.wait_dma2 semaphore(%run_scoped3A : memref<!tpu.dma_semaphore, #tpu.memory_space<semaphore_mem>>) src(%dma_wait3A_59 : memref<128xi32, #tpu.memory_space<hbm>>) dst(%arg4 : memref<128xi32, #tpu.memory_space<vmem>>)
        tpu.yield
      }) : () -> ()
      "tpu.region"() ({
        %run_scoped3A = tpu.sem_alloc : memref<!tpu.dma_semaphore, #tpu.memory_space<semaphore_mem>>
        %dma_start3A = arith.constant 0 : i32
        %dma_start3A_58 = tpu.memref_slice %arg7[%dma_start3A] : memref<10240xf32, #tpu.memory_space<vmem_shared>> -> memref<10240xf32, #tpu.memory_space<vmem_shared>>
        tpu.enqueue_indirect_dma source(%arg5 : memref<128xf32, #tpu.memory_space<vmem>>) target(%dma_start3A_58 : memref<10240xf32, #tpu.memory_space<vmem_shared>>) offsets(%arg4 : memref<128xi32, #tpu.memory_space<vmem>>) semaphore(%run_scoped3A : memref<!tpu.dma_semaphore, #tpu.memory_space<semaphore_mem>>) {add = true}
        %dma_wait3A = arith.constant 0 : i32
        %dma_wait3A_59 = tpu.memref_slice %arg7[%dma_wait3A] : memref<10240xf32, #tpu.memory_space<vmem_shared>> -> memref<10240xf32, #tpu.memory_space<vmem_shared>>
        tpu.wait_indirect_dma semaphore(%run_scoped3A : memref<!tpu.dma_semaphore, #tpu.memory_space<semaphore_mem>>) src(%arg5 : memref<128xf32, #tpu.memory_space<vmem>>) dst(%dma_wait3A_59 : memref<10240xf32, #tpu.memory_space<vmem_shared>>)
        tpu.yield
      }) : () -> ()
      %while3A_57 = arith.constant 0 : i32
      scf.yield %while3A_57 : i32
    }
    %while3A_40 = arith.constant 1 : i32
    %while3A_41 = scf.for %while3A_50 = %while3A_37 to %while3A_33 step %while3A_40 iter_args(%while3A_51 = %while3A_39) -> (i32)  : i32 {
      %mul3A_52 = arith.constant 32 : i32
      %mul3A_53 = arith.muli %while3A_50, %mul3A_52 : i32
      %add3A_54 = arith.addi %add3A, %mul3A_53 : i32
      %mul3A_55 = arith.constant 128 : i32
      %mul3A_56 = arith.muli %add3A_54, %mul3A_55 : i32
      "tpu.region"() ({
        %run_scoped3A = tpu.sem_alloc : memref<!tpu.dma_semaphore, #tpu.memory_space<semaphore_mem>>
        %dma_start3A = tpu.memref_slice %arg2[%mul3A_56] : memref<320000xi32, #tpu.memory_space<hbm>> -> memref<128xi32, #tpu.memory_space<hbm>>
        %dma_start3A_58 = tpu.memref_slice %arg2[%mul3A_56] : memref<320000xi32, #tpu.memory_space<hbm>> -> memref<128xi32, #tpu.memory_space<hbm>>
        tpu.enqueue_dma source(%dma_start3A_58 : memref<128xi32, #tpu.memory_space<hbm>>) target(%arg4 : memref<128xi32, #tpu.memory_space<vmem>>) target_semaphore(%run_scoped3A : memref<!tpu.dma_semaphore, #tpu.memory_space<semaphore_mem>>)
        %dma_wait3A = tpu.memref_slice %arg2[%mul3A_56] : memref<320000xi32, #tpu.memory_space<hbm>> -> memref<128xi32, #tpu.memory_space<hbm>>
        %dma_wait3A_59 = tpu.memref_slice %arg2[%mul3A_56] : memref<320000xi32, #tpu.memory_space<hbm>> -> memref<128xi32, #tpu.memory_space<hbm>>
        tpu.wait_dma2 semaphore(%run_scoped3A : memref<!tpu.dma_semaphore, #tpu.memory_space<semaphore_mem>>) src(%dma_wait3A_59 : memref<128xi32, #tpu.memory_space<hbm>>) dst(%arg4 : memref<128xi32, #tpu.memory_space<vmem>>)
        tpu.yield
      }) : () -> ()
      "tpu.region"() ({
        %run_scoped3A = tpu.sem_alloc : memref<!tpu.dma_semaphore, #tpu.memory_space<semaphore_mem>>
        %dma_start3A = arith.constant 0 : i32
        %dma_start3A_58 = tpu.memref_slice %arg7[%dma_start3A] : memref<10240xf32, #tpu.memory_space<vmem_shared>> -> memref<10240xf32, #tpu.memory_space<vmem_shared>>
        tpu.enqueue_indirect_dma source(%arg5 : memref<128xf32, #tpu.memory_space<vmem>>) target(%dma_start3A_58 : memref<10240xf32, #tpu.memory_space<vmem_shared>>) offsets(%arg4 : memref<128xi32, #tpu.memory_space<vmem>>) semaphore(%run_scoped3A : memref<!tpu.dma_semaphore, #tpu.memory_space<semaphore_mem>>) {add = true}
        %dma_wait3A = arith.constant 0 : i32
        %dma_wait3A_59 = tpu.memref_slice %arg7[%dma_wait3A] : memref<10240xf32, #tpu.memory_space<vmem_shared>> -> memref<10240xf32, #tpu.memory_space<vmem_shared>>
        tpu.wait_indirect_dma semaphore(%run_scoped3A : memref<!tpu.dma_semaphore, #tpu.memory_space<semaphore_mem>>) src(%arg5 : memref<128xf32, #tpu.memory_space<vmem>>) dst(%dma_wait3A_59 : memref<10240xf32, #tpu.memory_space<vmem_shared>>)
        tpu.yield
      }) : () -> ()
      %while3A_57 = arith.constant 0 : i32
      scf.yield %while3A_57 : i32
    }
    %barrier3A_42 = arith.constant 0 : index
    tpu.barrier barrier_id(%barrier3A_42)
    %mul3A_43 = arith.constant 640 : i32
    %mul3A_44 = arith.muli %arg1, %mul3A_43 : i32
    %mul3A_45 = arith.constant 10240 : i32
    %mul3A_46 = arith.muli %arg0, %mul3A_45 : i32
    %mul3A_47 = arith.constant 640 : i32
    %mul3A_48 = arith.muli %arg1, %mul3A_47 : i32
    %add3A_49 = arith.addi %mul3A_46, %mul3A_48 : i32
    "tpu.region"() ({
      %run_scoped3A = tpu.sem_alloc : memref<!tpu.dma_semaphore, #tpu.memory_space<semaphore_mem>>
      %dma_start3A = tpu.memref_slice %arg3[%add3A_49] : memref<20480xf32, #tpu.memory_space<hbm>> -> memref<640xf32, #tpu.memory_space<hbm>>
      %dma_start3A_50 = tpu.memref_slice %arg7[%mul3A_44] : memref<10240xf32, #tpu.memory_space<vmem_shared>> -> memref<640xf32, #tpu.memory_space<vmem_shared>>
      tpu.enqueue_dma source(%dma_start3A_50 : memref<640xf32, #tpu.memory_space<vmem_shared>>) target(%dma_start3A : memref<640xf32, #tpu.memory_space<hbm>>) target_semaphore(%run_scoped3A : memref<!tpu.dma_semaphore, #tpu.memory_space<semaphore_mem>>)
      %dma_wait3A = tpu.memref_slice %arg3[%add3A_49] : memref<20480xf32, #tpu.memory_space<hbm>> -> memref<640xf32, #tpu.memory_space<hbm>>
      %dma_wait3A_51 = tpu.memref_slice %arg7[%mul3A_44] : memref<10240xf32, #tpu.memory_space<vmem_shared>> -> memref<640xf32, #tpu.memory_space<vmem_shared>>
      tpu.wait_dma2 semaphore(%run_scoped3A : memref<!tpu.dma_semaphore, #tpu.memory_space<semaphore_mem>>) src(%dma_wait3A_51 : memref<640xf32, #tpu.memory_space<vmem_shared>>) dst(%dma_wait3A : memref<640xf32, #tpu.memory_space<hbm>>)
      tpu.yield
    }) : () -> ()
    return
  }
}

#map = affine_map<(d0, d1) -> (0, 0)>
#map1 = affine_map<(d0, d1) -> (0)>
module attributes {stable_mosaic.version = 14 : i64} {
  func.func @_sc_msgpass(%arg0: i32, %arg1: i32, %arg2: memref<10000x128xf32, #tpu.memory_space<hbm>>, %arg3: memref<320000xi32, #tpu.memory_space<hbm>>, %arg4: memref<320000xi32, #tpu.memory_space<hbm>>, %arg5: memref<20480x128xf32, #tpu.memory_space<hbm>>, %arg6: memref<128xi32, #tpu.memory_space<vmem>>, %arg7: memref<128xi32, #tpu.memory_space<vmem>>, %arg8: memref<128x128xf32, #tpu.memory_space<vmem>>, %arg9: memref<128x128xf32, #tpu.memory_space<vmem>>, %arg10: memref<10240x128xf32, #tpu.memory_space<vmem_shared>>, %arg11: memref<!tpu.dma_semaphore, #tpu.memory_space<semaphore_mem>>) attributes {dimension_semantics = [#tpu.dimension_semantics<core_parallel>, #tpu.dimension_semantics<subcore_parallel>], iteration_bounds = array<i64: 2, 16>, scalar_prefetch = 0 : i64, scratch_operands = 6 : i64, tpu.core_type = #tpu.core_type<sc_vector_subcore>, window_params = [{transform_indices = #map}, {transform_indices = #map1}, {transform_indices = #map1}, {transform_indices = #map}]} {
    %mul3A = arith.constant 2 : i32
    %mul3A_0 = arith.muli %arg1, %mul3A : i32
    %add3A = arith.addi %mul3A_0, %arg0 : i32
    %scan3A = arith.constant 0 : i32
    %scan3A_1 = arith.constant 0 : i32
    %scan3A_2 = arith.constant 128 : i32
    %scan3A_3 = arith.addi %scan3A_1, %scan3A_2 : i32
    %scan3A_4 = arith.constant 1 : i32
    %scan3A_5 = scf.for %scan3A_116 = %scan3A_1 to %scan3A_3 step %scan3A_4 iter_args(%scan3A_117 = %scan3A) -> (i32)  : i32 {
      %broadcast_in_dim3A = arith.constant 0.000000e+00 : f32
      %broadcast_in_dim3A_118 = vector.broadcast %broadcast_in_dim3A : f32 to vector<16xf32>
      %swap3A = arith.index_cast %scan3A_116 : i32 to index
      %swap3A_119 = arith.constant 0 : index
      %swap3A_120 = tpu.vector_load %arg9[%swap3A, %swap3A_119] {strides = array<i32>} : memref<128x128xf32, #tpu.memory_space<vmem>>, vector<1x16xf32>,
      %swap3A_121 = vector.shape_cast %swap3A_120 : vector<1x16xf32> to vector<16xf32>
      %swap3A_122 = vector.shape_cast %broadcast_in_dim3A_118 : vector<16xf32> to vector<1x16xf32>
      tpu.vector_store %arg9[%swap3A, %swap3A_119], %swap3A_122 {strides = array<i32>} : memref<128x128xf32, #tpu.memory_space<vmem>>, vector<1x16xf32>,
      %broadcast_in_dim3A_123 = arith.constant 0.000000e+00 : f32
      %broadcast_in_dim3A_124 = vector.broadcast %broadcast_in_dim3A_123 : f32 to vector<16xf32>
      %swap3A_125 = arith.index_cast %scan3A_116 : i32 to index
      %swap3A_126 = arith.constant 16 : index
      %swap3A_127 = tpu.vector_load %arg9[%swap3A_125, %swap3A_126] {strides = array<i32>} : memref<128x128xf32, #tpu.memory_space<vmem>>, vector<1x16xf32>,
      %swap3A_128 = vector.shape_cast %swap3A_127 : vector<1x16xf32> to vector<16xf32>
      %swap3A_129 = vector.shape_cast %broadcast_in_dim3A_124 : vector<16xf32> to vector<1x16xf32>
      tpu.vector_store %arg9[%swap3A_125, %swap3A_126], %swap3A_129 {strides = array<i32>} : memref<128x128xf32, #tpu.memory_space<vmem>>, vector<1x16xf32>,
      %broadcast_in_dim3A_130 = arith.constant 0.000000e+00 : f32
      %broadcast_in_dim3A_131 = vector.broadcast %broadcast_in_dim3A_130 : f32 to vector<16xf32>
      %swap3A_132 = arith.index_cast %scan3A_116 : i32 to index
      %swap3A_133 = arith.constant 32 : index
      %swap3A_134 = tpu.vector_load %arg9[%swap3A_132, %swap3A_133] {strides = array<i32>} : memref<128x128xf32, #tpu.memory_space<vmem>>, vector<1x16xf32>,
      %swap3A_135 = vector.shape_cast %swap3A_134 : vector<1x16xf32> to vector<16xf32>
      %swap3A_136 = vector.shape_cast %broadcast_in_dim3A_131 : vector<16xf32> to vector<1x16xf32>
      tpu.vector_store %arg9[%swap3A_132, %swap3A_133], %swap3A_136 {strides = array<i32>} : memref<128x128xf32, #tpu.memory_space<vmem>>, vector<1x16xf32>,
      %broadcast_in_dim3A_137 = arith.constant 0.000000e+00 : f32
      %broadcast_in_dim3A_138 = vector.broadcast %broadcast_in_dim3A_137 : f32 to vector<16xf32>
      %swap3A_139 = arith.index_cast %scan3A_116 : i32 to index
      %swap3A_140 = arith.constant 48 : index
      %swap3A_141 = tpu.vector_load %arg9[%swap3A_139, %swap3A_140] {strides = array<i32>} : memref<128x128xf32, #tpu.memory_space<vmem>>, vector<1x16xf32>,
      %swap3A_142 = vector.shape_cast %swap3A_141 : vector<1x16xf32> to vector<16xf32>
      %swap3A_143 = vector.shape_cast %broadcast_in_dim3A_138 : vector<16xf32> to vector<1x16xf32>
      tpu.vector_store %arg9[%swap3A_139, %swap3A_140], %swap3A_143 {strides = array<i32>} : memref<128x128xf32, #tpu.memory_space<vmem>>, vector<1x16xf32>,
      %broadcast_in_dim3A_144 = arith.constant 0.000000e+00 : f32
      %broadcast_in_dim3A_145 = vector.broadcast %broadcast_in_dim3A_144 : f32 to vector<16xf32>
      %swap3A_146 = arith.index_cast %scan3A_116 : i32 to index
      %swap3A_147 = arith.constant 64 : index
      %swap3A_148 = tpu.vector_load %arg9[%swap3A_146, %swap3A_147] {strides = array<i32>} : memref<128x128xf32, #tpu.memory_space<vmem>>, vector<1x16xf32>,
      %swap3A_149 = vector.shape_cast %swap3A_148 : vector<1x16xf32> to vector<16xf32>
      %swap3A_150 = vector.shape_cast %broadcast_in_dim3A_145 : vector<16xf32> to vector<1x16xf32>
      tpu.vector_store %arg9[%swap3A_146, %swap3A_147], %swap3A_150 {strides = array<i32>} : memref<128x128xf32, #tpu.memory_space<vmem>>, vector<1x16xf32>,
      %broadcast_in_dim3A_151 = arith.constant 0.000000e+00 : f32
      %broadcast_in_dim3A_152 = vector.broadcast %broadcast_in_dim3A_151 : f32 to vector<16xf32>
      %swap3A_153 = arith.index_cast %scan3A_116 : i32 to index
      %swap3A_154 = arith.constant 80 : index
      %swap3A_155 = tpu.vector_load %arg9[%swap3A_153, %swap3A_154] {strides = array<i32>} : memref<128x128xf32, #tpu.memory_space<vmem>>, vector<1x16xf32>,
      %swap3A_156 = vector.shape_cast %swap3A_155 : vector<1x16xf32> to vector<16xf32>
      %swap3A_157 = vector.shape_cast %broadcast_in_dim3A_152 : vector<16xf32> to vector<1x16xf32>
      tpu.vector_store %arg9[%swap3A_153, %swap3A_154], %swap3A_157 {strides = array<i32>} : memref<128x128xf32, #tpu.memory_space<vmem>>, vector<1x16xf32>,
      %broadcast_in_dim3A_158 = arith.constant 0.000000e+00 : f32
      %broadcast_in_dim3A_159 = vector.broadcast %broadcast_in_dim3A_158 : f32 to vector<16xf32>
      %swap3A_160 = arith.index_cast %scan3A_116 : i32 to index
      %swap3A_161 = arith.constant 96 : index
      %swap3A_162 = tpu.vector_load %arg9[%swap3A_160, %swap3A_161] {strides = array<i32>} : memref<128x128xf32, #tpu.memory_space<vmem>>, vector<1x16xf32>,
      %swap3A_163 = vector.shape_cast %swap3A_162 : vector<1x16xf32> to vector<16xf32>
      %swap3A_164 = vector.shape_cast %broadcast_in_dim3A_159 : vector<16xf32> to vector<1x16xf32>
      tpu.vector_store %arg9[%swap3A_160, %swap3A_161], %swap3A_164 {strides = array<i32>} : memref<128x128xf32, #tpu.memory_space<vmem>>, vector<1x16xf32>,
      %broadcast_in_dim3A_165 = arith.constant 0.000000e+00 : f32
      %broadcast_in_dim3A_166 = vector.broadcast %broadcast_in_dim3A_165 : f32 to vector<16xf32>
      %swap3A_167 = arith.index_cast %scan3A_116 : i32 to index
      %swap3A_168 = arith.constant 112 : index
      %swap3A_169 = tpu.vector_load %arg9[%swap3A_167, %swap3A_168] {strides = array<i32>} : memref<128x128xf32, #tpu.memory_space<vmem>>, vector<1x16xf32>,
      %swap3A_170 = vector.shape_cast %swap3A_169 : vector<1x16xf32> to vector<16xf32>
      %swap3A_171 = vector.shape_cast %broadcast_in_dim3A_166 : vector<16xf32> to vector<1x16xf32>
      tpu.vector_store %arg9[%swap3A_167, %swap3A_168], %swap3A_171 {strides = array<i32>} : memref<128x128xf32, #tpu.memory_space<vmem>>, vector<1x16xf32>,
      %scan3A_172 = arith.constant 0 : i32
      scf.yield %scan3A_172 : i32
    }
    %scan3A_6 = arith.constant 128 : i32
    %mul3A_7 = arith.constant 640 : i32
    %mul3A_8 = arith.muli %arg1, %mul3A_7 : i32
    %add3A_9 = arith.constant 0 : i32
    %add3A_10 = arith.addi %mul3A_8, %add3A_9 : i32
    "tpu.region"() ({
      %run_scoped3A = tpu.sem_alloc : memref<!tpu.dma_semaphore, #tpu.memory_space<semaphore_mem>>
      %dma_start3A = arith.constant 0 : i32
      %dma_start3A_116 = tpu.memref_slice %arg10[%add3A_10, %dma_start3A] : memref<10240x128xf32, #tpu.memory_space<vmem_shared>> -> memref<128x128xf32, #tpu.memory_space<vmem_shared>>
      %dma_start3A_117 = arith.constant 0 : i32
      %dma_start3A_118 = tpu.memref_slice %arg10[%add3A_10, %dma_start3A_117] : memref<10240x128xf32, #tpu.memory_space<vmem_shared>> -> memref<128x128xf32, #tpu.memory_space<vmem_shared>>
      tpu.enqueue_dma source(%arg9 : memref<128x128xf32, #tpu.memory_space<vmem>>) target(%dma_start3A_118 : memref<128x128xf32, #tpu.memory_space<vmem_shared>>) target_semaphore(%run_scoped3A : memref<!tpu.dma_semaphore, #tpu.memory_space<semaphore_mem>>)
      %dma_wait3A = arith.constant 0 : i32
      %dma_wait3A_119 = tpu.memref_slice %arg10[%add3A_10, %dma_wait3A] : memref<10240x128xf32, #tpu.memory_space<vmem_shared>> -> memref<128x128xf32, #tpu.memory_space<vmem_shared>>
      %dma_wait3A_120 = arith.constant 0 : i32
      %dma_wait3A_121 = tpu.memref_slice %arg10[%add3A_10, %dma_wait3A_120] : memref<10240x128xf32, #tpu.memory_space<vmem_shared>> -> memref<128x128xf32, #tpu.memory_space<vmem_shared>>
      tpu.wait_dma2 semaphore(%run_scoped3A : memref<!tpu.dma_semaphore, #tpu.memory_space<semaphore_mem>>) src(%arg9 : memref<128x128xf32, #tpu.memory_space<vmem>>) dst(%dma_wait3A_121 : memref<128x128xf32, #tpu.memory_space<vmem_shared>>)
      tpu.yield
    }) : () -> ()
    %mul3A_11 = arith.constant 640 : i32
    %mul3A_12 = arith.muli %arg1, %mul3A_11 : i32
    %add3A_13 = arith.constant 128 : i32
    %add3A_14 = arith.addi %mul3A_12, %add3A_13 : i32
    "tpu.region"() ({
      %run_scoped3A = tpu.sem_alloc : memref<!tpu.dma_semaphore, #tpu.memory_space<semaphore_mem>>
      %dma_start3A = arith.constant 0 : i32
      %dma_start3A_116 = tpu.memref_slice %arg10[%add3A_14, %dma_start3A] : memref<10240x128xf32, #tpu.memory_space<vmem_shared>> -> memref<128x128xf32, #tpu.memory_space<vmem_shared>>
      %dma_start3A_117 = arith.constant 0 : i32
      %dma_start3A_118 = tpu.memref_slice %arg10[%add3A_14, %dma_start3A_117] : memref<10240x128xf32, #tpu.memory_space<vmem_shared>> -> memref<128x128xf32, #tpu.memory_space<vmem_shared>>
      tpu.enqueue_dma source(%arg9 : memref<128x128xf32, #tpu.memory_space<vmem>>) target(%dma_start3A_118 : memref<128x128xf32, #tpu.memory_space<vmem_shared>>) target_semaphore(%run_scoped3A : memref<!tpu.dma_semaphore, #tpu.memory_space<semaphore_mem>>)
      %dma_wait3A = arith.constant 0 : i32
      %dma_wait3A_119 = tpu.memref_slice %arg10[%add3A_14, %dma_wait3A] : memref<10240x128xf32, #tpu.memory_space<vmem_shared>> -> memref<128x128xf32, #tpu.memory_space<vmem_shared>>
      %dma_wait3A_120 = arith.constant 0 : i32
      %dma_wait3A_121 = tpu.memref_slice %arg10[%add3A_14, %dma_wait3A_120] : memref<10240x128xf32, #tpu.memory_space<vmem_shared>> -> memref<128x128xf32, #tpu.memory_space<vmem_shared>>
      tpu.wait_dma2 semaphore(%run_scoped3A : memref<!tpu.dma_semaphore, #tpu.memory_space<semaphore_mem>>) src(%arg9 : memref<128x128xf32, #tpu.memory_space<vmem>>) dst(%dma_wait3A_121 : memref<128x128xf32, #tpu.memory_space<vmem_shared>>)
      tpu.yield
    }) : () -> ()
    %mul3A_15 = arith.constant 640 : i32
    %mul3A_16 = arith.muli %arg1, %mul3A_15 : i32
    %add3A_17 = arith.constant 256 : i32
    %add3A_18 = arith.addi %mul3A_16, %add3A_17 : i32
    "tpu.region"() ({
      %run_scoped3A = tpu.sem_alloc : memref<!tpu.dma_semaphore, #tpu.memory_space<semaphore_mem>>
      %dma_start3A = arith.constant 0 : i32
      %dma_start3A_116 = tpu.memref_slice %arg10[%add3A_18, %dma_start3A] : memref<10240x128xf32, #tpu.memory_space<vmem_shared>> -> memref<128x128xf32, #tpu.memory_space<vmem_shared>>
      %dma_start3A_117 = arith.constant 0 : i32
      %dma_start3A_118 = tpu.memref_slice %arg10[%add3A_18, %dma_start3A_117] : memref<10240x128xf32, #tpu.memory_space<vmem_shared>> -> memref<128x128xf32, #tpu.memory_space<vmem_shared>>
      tpu.enqueue_dma source(%arg9 : memref<128x128xf32, #tpu.memory_space<vmem>>) target(%dma_start3A_118 : memref<128x128xf32, #tpu.memory_space<vmem_shared>>) target_semaphore(%run_scoped3A : memref<!tpu.dma_semaphore, #tpu.memory_space<semaphore_mem>>)
      %dma_wait3A = arith.constant 0 : i32
      %dma_wait3A_119 = tpu.memref_slice %arg10[%add3A_18, %dma_wait3A] : memref<10240x128xf32, #tpu.memory_space<vmem_shared>> -> memref<128x128xf32, #tpu.memory_space<vmem_shared>>
      %dma_wait3A_120 = arith.constant 0 : i32
      %dma_wait3A_121 = tpu.memref_slice %arg10[%add3A_18, %dma_wait3A_120] : memref<10240x128xf32, #tpu.memory_space<vmem_shared>> -> memref<128x128xf32, #tpu.memory_space<vmem_shared>>
      tpu.wait_dma2 semaphore(%run_scoped3A : memref<!tpu.dma_semaphore, #tpu.memory_space<semaphore_mem>>) src(%arg9 : memref<128x128xf32, #tpu.memory_space<vmem>>) dst(%dma_wait3A_121 : memref<128x128xf32, #tpu.memory_space<vmem_shared>>)
      tpu.yield
    }) : () -> ()
    %mul3A_19 = arith.constant 640 : i32
    %mul3A_20 = arith.muli %arg1, %mul3A_19 : i32
    %add3A_21 = arith.constant 384 : i32
    %add3A_22 = arith.addi %mul3A_20, %add3A_21 : i32
    "tpu.region"() ({
      %run_scoped3A = tpu.sem_alloc : memref<!tpu.dma_semaphore, #tpu.memory_space<semaphore_mem>>
      %dma_start3A = arith.constant 0 : i32
      %dma_start3A_116 = tpu.memref_slice %arg10[%add3A_22, %dma_start3A] : memref<10240x128xf32, #tpu.memory_space<vmem_shared>> -> memref<128x128xf32, #tpu.memory_space<vmem_shared>>
      %dma_start3A_117 = arith.constant 0 : i32
      %dma_start3A_118 = tpu.memref_slice %arg10[%add3A_22, %dma_start3A_117] : memref<10240x128xf32, #tpu.memory_space<vmem_shared>> -> memref<128x128xf32, #tpu.memory_space<vmem_shared>>
      tpu.enqueue_dma source(%arg9 : memref<128x128xf32, #tpu.memory_space<vmem>>) target(%dma_start3A_118 : memref<128x128xf32, #tpu.memory_space<vmem_shared>>) target_semaphore(%run_scoped3A : memref<!tpu.dma_semaphore, #tpu.memory_space<semaphore_mem>>)
      %dma_wait3A = arith.constant 0 : i32
      %dma_wait3A_119 = tpu.memref_slice %arg10[%add3A_22, %dma_wait3A] : memref<10240x128xf32, #tpu.memory_space<vmem_shared>> -> memref<128x128xf32, #tpu.memory_space<vmem_shared>>
      %dma_wait3A_120 = arith.constant 0 : i32
      %dma_wait3A_121 = tpu.memref_slice %arg10[%add3A_22, %dma_wait3A_120] : memref<10240x128xf32, #tpu.memory_space<vmem_shared>> -> memref<128x128xf32, #tpu.memory_space<vmem_shared>>
      tpu.wait_dma2 semaphore(%run_scoped3A : memref<!tpu.dma_semaphore, #tpu.memory_space<semaphore_mem>>) src(%arg9 : memref<128x128xf32, #tpu.memory_space<vmem>>) dst(%dma_wait3A_121 : memref<128x128xf32, #tpu.memory_space<vmem_shared>>)
      tpu.yield
    }) : () -> ()
    %mul3A_23 = arith.constant 640 : i32
    %mul3A_24 = arith.muli %arg1, %mul3A_23 : i32
    %add3A_25 = arith.constant 512 : i32
    %add3A_26 = arith.addi %mul3A_24, %add3A_25 : i32
    "tpu.region"() ({
      %run_scoped3A = tpu.sem_alloc : memref<!tpu.dma_semaphore, #tpu.memory_space<semaphore_mem>>
      %dma_start3A = arith.constant 0 : i32
      %dma_start3A_116 = tpu.memref_slice %arg10[%add3A_26, %dma_start3A] : memref<10240x128xf32, #tpu.memory_space<vmem_shared>> -> memref<128x128xf32, #tpu.memory_space<vmem_shared>>
      %dma_start3A_117 = arith.constant 0 : i32
      %dma_start3A_118 = tpu.memref_slice %arg10[%add3A_26, %dma_start3A_117] : memref<10240x128xf32, #tpu.memory_space<vmem_shared>> -> memref<128x128xf32, #tpu.memory_space<vmem_shared>>
      tpu.enqueue_dma source(%arg9 : memref<128x128xf32, #tpu.memory_space<vmem>>) target(%dma_start3A_118 : memref<128x128xf32, #tpu.memory_space<vmem_shared>>) target_semaphore(%run_scoped3A : memref<!tpu.dma_semaphore, #tpu.memory_space<semaphore_mem>>)
      %dma_wait3A = arith.constant 0 : i32
      %dma_wait3A_119 = tpu.memref_slice %arg10[%add3A_26, %dma_wait3A] : memref<10240x128xf32, #tpu.memory_space<vmem_shared>> -> memref<128x128xf32, #tpu.memory_space<vmem_shared>>
      %dma_wait3A_120 = arith.constant 0 : i32
      %dma_wait3A_121 = tpu.memref_slice %arg10[%add3A_26, %dma_wait3A_120] : memref<10240x128xf32, #tpu.memory_space<vmem_shared>> -> memref<128x128xf32, #tpu.memory_space<vmem_shared>>
      tpu.wait_dma2 semaphore(%run_scoped3A : memref<!tpu.dma_semaphore, #tpu.memory_space<semaphore_mem>>) src(%arg9 : memref<128x128xf32, #tpu.memory_space<vmem>>) dst(%dma_wait3A_121 : memref<128x128xf32, #tpu.memory_space<vmem_shared>>)
      tpu.yield
    }) : () -> ()
    %barrier3A = arith.constant 0 : index
    tpu.barrier barrier_id(%barrier3A)
    %sub3A = arith.constant 2500 : i32
    %sub3A_27 = arith.subi %sub3A, %add3A : i32
    %add3A_28 = arith.constant 32 : i32
    %add3A_29 = arith.addi %sub3A_27, %add3A_28 : i32
    %sub3A_30 = arith.constant 1 : i32
    %sub3A_31 = arith.subi %add3A_29, %sub3A_30 : i32
    %jit3A = arith.constant 32 : i32
    %div3A = arith.divsi %sub3A_31, %jit3A : i32
    %sign3A = arith.constant 0 : i32
    %sign3A_32 = arith.cmpi sgt, %sub3A_31, %sign3A : i32
    %sign3A_33 = arith.extui %sign3A_32 : i1 to i32
    %sign3A_34 = arith.constant 0 : i32
    %sign3A_35 = arith.cmpi slt, %sub3A_31, %sign3A_34 : i32
    %sign3A_36 = arith.extui %sign3A_35 : i1 to i32
    %sign3A_37 = arith.subi %sign3A_33, %sign3A_36 : i32
    %sign3A_38 = arith.constant 0 : i32
    %sign3A_39 = arith.cmpi sgt, %jit3A, %sign3A_38 : i32
    %sign3A_40 = arith.extui %sign3A_39 : i1 to i32
    %sign3A_41 = arith.constant 0 : i32
    %sign3A_42 = arith.cmpi slt, %jit3A, %sign3A_41 : i32
    %sign3A_43 = arith.extui %sign3A_42 : i1 to i32
    %sign3A_44 = arith.subi %sign3A_40, %sign3A_43 : i32
    %ne3A = arith.cmpi ne, %sign3A_37, %sign3A_44 : i32
    %rem3A = arith.remsi %sub3A_31, %jit3A : i32
    %ne3A_45 = arith.constant 0 : i32
    %ne3A_46 = arith.cmpi ne, %rem3A, %ne3A_45 : i32
    %and3A = arith.andi %ne3A, %ne3A_46 : i1
    %sub3A_47 = arith.constant 1 : i32
    %sub3A_48 = arith.subi %div3A, %sub3A_47 : i32
    %select_n3A = arith.select %and3A, %sub3A_48, %div3A : i32
    %while3A = arith.constant 0 : i32
    %while3A_49 = arith.constant 0 : i32
    %while3A_50 = arith.subi %select_n3A, %while3A : i32
    %while3A_51 = arith.addi %while3A, %while3A_50 : i32
    %while3A_52 = arith.constant 1 : i32
    %while3A_53 = arith.divsi %while3A_50, %while3A_52 : i32
    %while3A_54 = arith.muli %while3A_53, %while3A_52 : i32
    %while3A_55 = arith.addi %while3A, %while3A_54 : i32
    %while3A_56 = arith.constant 1 : i32
    %while3A_57 = scf.for %while3A_116 = %while3A to %while3A_55 step %while3A_56 iter_args(%while3A_117 = %while3A_49) -> (i32)  : i32 {
      %mul3A_118 = arith.constant 32 : i32
      %mul3A_119 = arith.muli %while3A_116, %mul3A_118 : i32
      %add3A_120 = arith.addi %add3A, %mul3A_119 : i32
      %mul3A_121 = arith.constant 128 : i32
      %mul3A_122 = arith.muli %add3A_120, %mul3A_121 : i32
      "tpu.region"() ({
        %run_scoped3A = tpu.sem_alloc : memref<!tpu.dma_semaphore, #tpu.memory_space<semaphore_mem>>
        %dma_start3A_128 = tpu.memref_slice %arg3[%mul3A_122] : memref<320000xi32, #tpu.memory_space<hbm>> -> memref<128xi32, #tpu.memory_space<hbm>>
        %dma_start3A_129 = tpu.memref_slice %arg3[%mul3A_122] : memref<320000xi32, #tpu.memory_space<hbm>> -> memref<128xi32, #tpu.memory_space<hbm>>
        tpu.enqueue_dma source(%dma_start3A_129 : memref<128xi32, #tpu.memory_space<hbm>>) target(%arg6 : memref<128xi32, #tpu.memory_space<vmem>>) target_semaphore(%run_scoped3A : memref<!tpu.dma_semaphore, #tpu.memory_space<semaphore_mem>>)
        %dma_wait3A_130 = tpu.memref_slice %arg3[%mul3A_122] : memref<320000xi32, #tpu.memory_space<hbm>> -> memref<128xi32, #tpu.memory_space<hbm>>
        %dma_wait3A_131 = tpu.memref_slice %arg3[%mul3A_122] : memref<320000xi32, #tpu.memory_space<hbm>> -> memref<128xi32, #tpu.memory_space<hbm>>
        tpu.wait_dma2 semaphore(%run_scoped3A : memref<!tpu.dma_semaphore, #tpu.memory_space<semaphore_mem>>) src(%dma_wait3A_131 : memref<128xi32, #tpu.memory_space<hbm>>) dst(%arg6 : memref<128xi32, #tpu.memory_space<vmem>>)
        tpu.yield
      }) : () -> ()
      "tpu.region"() ({
        %run_scoped3A = tpu.sem_alloc : memref<!tpu.dma_semaphore, #tpu.memory_space<semaphore_mem>>
        %dma_start3A_128 = tpu.memref_slice %arg4[%mul3A_122] : memref<320000xi32, #tpu.memory_space<hbm>> -> memref<128xi32, #tpu.memory_space<hbm>>
        %dma_start3A_129 = tpu.memref_slice %arg4[%mul3A_122] : memref<320000xi32, #tpu.memory_space<hbm>> -> memref<128xi32, #tpu.memory_space<hbm>>
        tpu.enqueue_dma source(%dma_start3A_129 : memref<128xi32, #tpu.memory_space<hbm>>) target(%arg7 : memref<128xi32, #tpu.memory_space<vmem>>) target_semaphore(%run_scoped3A : memref<!tpu.dma_semaphore, #tpu.memory_space<semaphore_mem>>)
        %dma_wait3A_130 = tpu.memref_slice %arg4[%mul3A_122] : memref<320000xi32, #tpu.memory_space<hbm>> -> memref<128xi32, #tpu.memory_space<hbm>>
        %dma_wait3A_131 = tpu.memref_slice %arg4[%mul3A_122] : memref<320000xi32, #tpu.memory_space<hbm>> -> memref<128xi32, #tpu.memory_space<hbm>>
        tpu.wait_dma2 semaphore(%run_scoped3A : memref<!tpu.dma_semaphore, #tpu.memory_space<semaphore_mem>>) src(%dma_wait3A_131 : memref<128xi32, #tpu.memory_space<hbm>>) dst(%arg7 : memref<128xi32, #tpu.memory_space<vmem>>)
        tpu.yield
      }) : () -> ()
      %dma_start3A = arith.constant 0 : i32
      %dma_start3A_123 = arith.constant 0 : i32
      %dma_start3A_124 = tpu.memref_slice %arg2[%dma_start3A, %dma_start3A_123] : memref<10000x128xf32, #tpu.memory_space<hbm>> -> memref<10000x128xf32, #tpu.memory_space<hbm>>
      tpu.enqueue_indirect_dma source(%dma_start3A_124 : memref<10000x128xf32, #tpu.memory_space<hbm>>) target(%arg8 : memref<128x128xf32, #tpu.memory_space<vmem>>) offsets(%arg6 : memref<128xi32, #tpu.memory_space<vmem>>) semaphore(%arg11 : memref<!tpu.dma_semaphore, #tpu.memory_space<semaphore_mem>>)
      %dma_wait3A = arith.constant 0 : i32
      %dma_wait3A_125 = arith.constant 0 : i32
      %dma_wait3A_126 = tpu.memref_slice %arg2[%dma_wait3A, %dma_wait3A_125] : memref<10000x128xf32, #tpu.memory_space<hbm>> -> memref<10000x128xf32, #tpu.memory_space<hbm>>
      tpu.wait_indirect_dma semaphore(%arg11 : memref<!tpu.dma_semaphore, #tpu.memory_space<semaphore_mem>>) src(%dma_wait3A_126 : memref<10000x128xf32, #tpu.memory_space<hbm>>) dst(%arg8 : memref<128x128xf32, #tpu.memory_space<vmem>>)
      "tpu.region"() ({
        %run_scoped3A = tpu.sem_alloc : memref<!tpu.dma_semaphore, #tpu.memory_space<semaphore_mem>>
        %dma_start3A_128 = arith.constant 0 : i32
        %dma_start3A_129 = arith.constant 0 : i32
        %dma_start3A_130 = tpu.memref_slice %arg10[%dma_start3A_128, %dma_start3A_129] : memref<10240x128xf32, #tpu.memory_space<vmem_shared>> -> memref<10240x128xf32, #tpu.memory_space<vmem_shared>>
        tpu.enqueue_indirect_dma source(%arg8 : memref<128x128xf32, #tpu.memory_space<vmem>>) target(%dma_start3A_130 : memref<10240x128xf32, #tpu.memory_space<vmem_shared>>) offsets(%arg7 : memref<128xi32, #tpu.memory_space<vmem>>) semaphore(%run_scoped3A : memref<!tpu.dma_semaphore, #tpu.memory_space<semaphore_mem>>) {add = true}
        %dma_wait3A_131 = arith.constant 0 : i32
        %dma_wait3A_132 = arith.constant 0 : i32
        %dma_wait3A_133 = tpu.memref_slice %arg10[%dma_wait3A_131, %dma_wait3A_132] : memref<10240x128xf32, #tpu.memory_space<vmem_shared>> -> memref<10240x128xf32, #tpu.memory_space<vmem_shared>>
        tpu.wait_indirect_dma semaphore(%run_scoped3A : memref<!tpu.dma_semaphore, #tpu.memory_space<semaphore_mem>>) src(%arg8 : memref<128x128xf32, #tpu.memory_space<vmem>>) dst(%dma_wait3A_133 : memref<10240x128xf32, #tpu.memory_space<vmem_shared>>)
        tpu.yield
      }) : () -> ()
      %while3A_127 = arith.constant 0 : i32
      scf.yield %while3A_127 : i32
    }
    %while3A_58 = arith.constant 1 : i32
    %while3A_59 = scf.for %while3A_116 = %while3A_55 to %while3A_51 step %while3A_58 iter_args(%while3A_117 = %while3A_57) -> (i32)  : i32 {
      %mul3A_118 = arith.constant 32 : i32
      %mul3A_119 = arith.muli %while3A_116, %mul3A_118 : i32
      %add3A_120 = arith.addi %add3A, %mul3A_119 : i32
      %mul3A_121 = arith.constant 128 : i32
      %mul3A_122 = arith.muli %add3A_120, %mul3A_121 : i32
      "tpu.region"() ({
        %run_scoped3A = tpu.sem_alloc : memref<!tpu.dma_semaphore, #tpu.memory_space<semaphore_mem>>
        %dma_start3A_128 = tpu.memref_slice %arg3[%mul3A_122] : memref<320000xi32, #tpu.memory_space<hbm>> -> memref<128xi32, #tpu.memory_space<hbm>>
        %dma_start3A_129 = tpu.memref_slice %arg3[%mul3A_122] : memref<320000xi32, #tpu.memory_space<hbm>> -> memref<128xi32, #tpu.memory_space<hbm>>
        tpu.enqueue_dma source(%dma_start3A_129 : memref<128xi32, #tpu.memory_space<hbm>>) target(%arg6 : memref<128xi32, #tpu.memory_space<vmem>>) target_semaphore(%run_scoped3A : memref<!tpu.dma_semaphore, #tpu.memory_space<semaphore_mem>>)
        %dma_wait3A_130 = tpu.memref_slice %arg3[%mul3A_122] : memref<320000xi32, #tpu.memory_space<hbm>> -> memref<128xi32, #tpu.memory_space<hbm>>
        %dma_wait3A_131 = tpu.memref_slice %arg3[%mul3A_122] : memref<320000xi32, #tpu.memory_space<hbm>> -> memref<128xi32, #tpu.memory_space<hbm>>
        tpu.wait_dma2 semaphore(%run_scoped3A : memref<!tpu.dma_semaphore, #tpu.memory_space<semaphore_mem>>) src(%dma_wait3A_131 : memref<128xi32, #tpu.memory_space<hbm>>) dst(%arg6 : memref<128xi32, #tpu.memory_space<vmem>>)
        tpu.yield
      }) : () -> ()
      "tpu.region"() ({
        %run_scoped3A = tpu.sem_alloc : memref<!tpu.dma_semaphore, #tpu.memory_space<semaphore_mem>>
        %dma_start3A_128 = tpu.memref_slice %arg4[%mul3A_122] : memref<320000xi32, #tpu.memory_space<hbm>> -> memref<128xi32, #tpu.memory_space<hbm>>
        %dma_start3A_129 = tpu.memref_slice %arg4[%mul3A_122] : memref<320000xi32, #tpu.memory_space<hbm>> -> memref<128xi32, #tpu.memory_space<hbm>>
        tpu.enqueue_dma source(%dma_start3A_129 : memref<128xi32, #tpu.memory_space<hbm>>) target(%arg7 : memref<128xi32, #tpu.memory_space<vmem>>) target_semaphore(%run_scoped3A : memref<!tpu.dma_semaphore, #tpu.memory_space<semaphore_mem>>)
        %dma_wait3A_130 = tpu.memref_slice %arg4[%mul3A_122] : memref<320000xi32, #tpu.memory_space<hbm>> -> memref<128xi32, #tpu.memory_space<hbm>>
        %dma_wait3A_131 = tpu.memref_slice %arg4[%mul3A_122] : memref<320000xi32, #tpu.memory_space<hbm>> -> memref<128xi32, #tpu.memory_space<hbm>>
        tpu.wait_dma2 semaphore(%run_scoped3A : memref<!tpu.dma_semaphore, #tpu.memory_space<semaphore_mem>>) src(%dma_wait3A_131 : memref<128xi32, #tpu.memory_space<hbm>>) dst(%arg7 : memref<128xi32, #tpu.memory_space<vmem>>)
        tpu.yield
      }) : () -> ()
      %dma_start3A = arith.constant 0 : i32
      %dma_start3A_123 = arith.constant 0 : i32
      %dma_start3A_124 = tpu.memref_slice %arg2[%dma_start3A, %dma_start3A_123] : memref<10000x128xf32, #tpu.memory_space<hbm>> -> memref<10000x128xf32, #tpu.memory_space<hbm>>
      tpu.enqueue_indirect_dma source(%dma_start3A_124 : memref<10000x128xf32, #tpu.memory_space<hbm>>) target(%arg8 : memref<128x128xf32, #tpu.memory_space<vmem>>) offsets(%arg6 : memref<128xi32, #tpu.memory_space<vmem>>) semaphore(%arg11 : memref<!tpu.dma_semaphore, #tpu.memory_space<semaphore_mem>>)
      %dma_wait3A = arith.constant 0 : i32
      %dma_wait3A_125 = arith.constant 0 : i32
      %dma_wait3A_126 = tpu.memref_slice %arg2[%dma_wait3A, %dma_wait3A_125] : memref<10000x128xf32, #tpu.memory_space<hbm>> -> memref<10000x128xf32, #tpu.memory_space<hbm>>
      tpu.wait_indirect_dma semaphore(%arg11 : memref<!tpu.dma_semaphore, #tpu.memory_space<semaphore_mem>>) src(%dma_wait3A_126 : memref<10000x128xf32, #tpu.memory_space<hbm>>) dst(%arg8 : memref<128x128xf32, #tpu.memory_space<vmem>>)
      "tpu.region"() ({
        %run_scoped3A = tpu.sem_alloc : memref<!tpu.dma_semaphore, #tpu.memory_space<semaphore_mem>>
        %dma_start3A_128 = arith.constant 0 : i32
        %dma_start3A_129 = arith.constant 0 : i32
        %dma_start3A_130 = tpu.memref_slice %arg10[%dma_start3A_128, %dma_start3A_129] : memref<10240x128xf32, #tpu.memory_space<vmem_shared>> -> memref<10240x128xf32, #tpu.memory_space<vmem_shared>>
        tpu.enqueue_indirect_dma source(%arg8 : memref<128x128xf32, #tpu.memory_space<vmem>>) target(%dma_start3A_130 : memref<10240x128xf32, #tpu.memory_space<vmem_shared>>) offsets(%arg7 : memref<128xi32, #tpu.memory_space<vmem>>) semaphore(%run_scoped3A : memref<!tpu.dma_semaphore, #tpu.memory_space<semaphore_mem>>) {add = true}
        %dma_wait3A_131 = arith.constant 0 : i32
        %dma_wait3A_132 = arith.constant 0 : i32
        %dma_wait3A_133 = tpu.memref_slice %arg10[%dma_wait3A_131, %dma_wait3A_132] : memref<10240x128xf32, #tpu.memory_space<vmem_shared>> -> memref<10240x128xf32, #tpu.memory_space<vmem_shared>>
        tpu.wait_indirect_dma semaphore(%run_scoped3A : memref<!tpu.dma_semaphore, #tpu.memory_space<semaphore_mem>>) src(%arg8 : memref<128x128xf32, #tpu.memory_space<vmem>>) dst(%dma_wait3A_133 : memref<10240x128xf32, #tpu.memory_space<vmem_shared>>)
        tpu.yield
      }) : () -> ()
      %while3A_127 = arith.constant 0 : i32
      scf.yield %while3A_127 : i32
    }
    %barrier3A_60 = arith.constant 0 : index
    tpu.barrier barrier_id(%barrier3A_60)
    %mul3A_61 = arith.constant 640 : i32
    %mul3A_62 = arith.muli %arg1, %mul3A_61 : i32
    %add3A_63 = arith.constant 0 : i32
    %add3A_64 = arith.addi %mul3A_62, %add3A_63 : i32
    %mul3A_65 = arith.constant 10240 : i32
    %mul3A_66 = arith.muli %arg0, %mul3A_65 : i32
    %mul3A_67 = arith.constant 640 : i32
    %mul3A_68 = arith.muli %arg1, %mul3A_67 : i32
    %add3A_69 = arith.addi %mul3A_66, %mul3A_68 : i32
    %add3A_70 = arith.constant 0 : i32
    %add3A_71 = arith.addi %add3A_69, %add3A_70 : i32
    "tpu.region"() ({
      %run_scoped3A = tpu.sem_alloc : memref<!tpu.dma_semaphore, #tpu.memory_space<semaphore_mem>>
      %dma_start3A = arith.constant 0 : i32
      %dma_start3A_116 = tpu.memref_slice %arg5[%add3A_71, %dma_start3A] : memref<20480x128xf32, #tpu.memory_space<hbm>> -> memref<128x128xf32, #tpu.memory_space<hbm>>
      %dma_start3A_117 = arith.constant 0 : i32
      %dma_start3A_118 = tpu.memref_slice %arg10[%add3A_64, %dma_start3A_117] : memref<10240x128xf32, #tpu.memory_space<vmem_shared>> -> memref<128x128xf32, #tpu.memory_space<vmem_shared>>
      tpu.enqueue_dma source(%dma_start3A_118 : memref<128x128xf32, #tpu.memory_space<vmem_shared>>) target(%dma_start3A_116 : memref<128x128xf32, #tpu.memory_space<hbm>>) target_semaphore(%run_scoped3A : memref<!tpu.dma_semaphore, #tpu.memory_space<semaphore_mem>>)
      %dma_wait3A = arith.constant 0 : i32
      %dma_wait3A_119 = tpu.memref_slice %arg5[%add3A_71, %dma_wait3A] : memref<20480x128xf32, #tpu.memory_space<hbm>> -> memref<128x128xf32, #tpu.memory_space<hbm>>
      %dma_wait3A_120 = arith.constant 0 : i32
      %dma_wait3A_121 = tpu.memref_slice %arg10[%add3A_64, %dma_wait3A_120] : memref<10240x128xf32, #tpu.memory_space<vmem_shared>> -> memref<128x128xf32, #tpu.memory_space<vmem_shared>>
      tpu.wait_dma2 semaphore(%run_scoped3A : memref<!tpu.dma_semaphore, #tpu.memory_space<semaphore_mem>>) src(%dma_wait3A_121 : memref<128x128xf32, #tpu.memory_space<vmem_shared>>) dst(%dma_wait3A_119 : memref<128x128xf32, #tpu.memory_space<hbm>>)
      tpu.yield
    }) : () -> ()
    %mul3A_72 = arith.constant 640 : i32
    %mul3A_73 = arith.muli %arg1, %mul3A_72 : i32
    %add3A_74 = arith.constant 128 : i32
    %add3A_75 = arith.addi %mul3A_73, %add3A_74 : i32
    %mul3A_76 = arith.constant 10240 : i32
    %mul3A_77 = arith.muli %arg0, %mul3A_76 : i32
    %mul3A_78 = arith.constant 640 : i32
    %mul3A_79 = arith.muli %arg1, %mul3A_78 : i32
    %add3A_80 = arith.addi %mul3A_77, %mul3A_79 : i32
    %add3A_81 = arith.constant 128 : i32
    %add3A_82 = arith.addi %add3A_80, %add3A_81 : i32
    "tpu.region"() ({
      %run_scoped3A = tpu.sem_alloc : memref<!tpu.dma_semaphore, #tpu.memory_space<semaphore_mem>>
      %dma_start3A = arith.constant 0 : i32
      %dma_start3A_116 = tpu.memref_slice %arg5[%add3A_82, %dma_start3A] : memref<20480x128xf32, #tpu.memory_space<hbm>> -> memref<128x128xf32, #tpu.memory_space<hbm>>
      %dma_start3A_117 = arith.constant 0 : i32
      %dma_start3A_118 = tpu.memref_slice %arg10[%add3A_75, %dma_start3A_117] : memref<10240x128xf32, #tpu.memory_space<vmem_shared>> -> memref<128x128xf32, #tpu.memory_space<vmem_shared>>
      tpu.enqueue_dma source(%dma_start3A_118 : memref<128x128xf32, #tpu.memory_space<vmem_shared>>) target(%dma_start3A_116 : memref<128x128xf32, #tpu.memory_space<hbm>>) target_semaphore(%run_scoped3A : memref<!tpu.dma_semaphore, #tpu.memory_space<semaphore_mem>>)
      %dma_wait3A = arith.constant 0 : i32
      %dma_wait3A_119 = tpu.memref_slice %arg5[%add3A_82, %dma_wait3A] : memref<20480x128xf32, #tpu.memory_space<hbm>> -> memref<128x128xf32, #tpu.memory_space<hbm>>
      %dma_wait3A_120 = arith.constant 0 : i32
      %dma_wait3A_121 = tpu.memref_slice %arg10[%add3A_75, %dma_wait3A_120] : memref<10240x128xf32, #tpu.memory_space<vmem_shared>> -> memref<128x128xf32, #tpu.memory_space<vmem_shared>>
      tpu.wait_dma2 semaphore(%run_scoped3A : memref<!tpu.dma_semaphore, #tpu.memory_space<semaphore_mem>>) src(%dma_wait3A_121 : memref<128x128xf32, #tpu.memory_space<vmem_shared>>) dst(%dma_wait3A_119 : memref<128x128xf32, #tpu.memory_space<hbm>>)
      tpu.yield
    }) : () -> ()
    %mul3A_83 = arith.constant 640 : i32
    %mul3A_84 = arith.muli %arg1, %mul3A_83 : i32
    %add3A_85 = arith.constant 256 : i32
    %add3A_86 = arith.addi %mul3A_84, %add3A_85 : i32
    %mul3A_87 = arith.constant 10240 : i32
    %mul3A_88 = arith.muli %arg0, %mul3A_87 : i32
    %mul3A_89 = arith.constant 640 : i32
    %mul3A_90 = arith.muli %arg1, %mul3A_89 : i32
    %add3A_91 = arith.addi %mul3A_88, %mul3A_90 : i32
    %add3A_92 = arith.constant 256 : i32
    %add3A_93 = arith.addi %add3A_91, %add3A_92 : i32
    "tpu.region"() ({
      %run_scoped3A = tpu.sem_alloc : memref<!tpu.dma_semaphore, #tpu.memory_space<semaphore_mem>>
      %dma_start3A = arith.constant 0 : i32
      %dma_start3A_116 = tpu.memref_slice %arg5[%add3A_93, %dma_start3A] : memref<20480x128xf32, #tpu.memory_space<hbm>> -> memref<128x128xf32, #tpu.memory_space<hbm>>
      %dma_start3A_117 = arith.constant 0 : i32
      %dma_start3A_118 = tpu.memref_slice %arg10[%add3A_86, %dma_start3A_117] : memref<10240x128xf32, #tpu.memory_space<vmem_shared>> -> memref<128x128xf32, #tpu.memory_space<vmem_shared>>
      tpu.enqueue_dma source(%dma_start3A_118 : memref<128x128xf32, #tpu.memory_space<vmem_shared>>) target(%dma_start3A_116 : memref<128x128xf32, #tpu.memory_space<hbm>>) target_semaphore(%run_scoped3A : memref<!tpu.dma_semaphore, #tpu.memory_space<semaphore_mem>>)
      %dma_wait3A = arith.constant 0 : i32
      %dma_wait3A_119 = tpu.memref_slice %arg5[%add3A_93, %dma_wait3A] : memref<20480x128xf32, #tpu.memory_space<hbm>> -> memref<128x128xf32, #tpu.memory_space<hbm>>
      %dma_wait3A_120 = arith.constant 0 : i32
      %dma_wait3A_121 = tpu.memref_slice %arg10[%add3A_86, %dma_wait3A_120] : memref<10240x128xf32, #tpu.memory_space<vmem_shared>> -> memref<128x128xf32, #tpu.memory_space<vmem_shared>>
      tpu.wait_dma2 semaphore(%run_scoped3A : memref<!tpu.dma_semaphore, #tpu.memory_space<semaphore_mem>>) src(%dma_wait3A_121 : memref<128x128xf32, #tpu.memory_space<vmem_shared>>) dst(%dma_wait3A_119 : memref<128x128xf32, #tpu.memory_space<hbm>>)
      tpu.yield
    }) : () -> ()
    %mul3A_94 = arith.constant 640 : i32
    %mul3A_95 = arith.muli %arg1, %mul3A_94 : i32
    %add3A_96 = arith.constant 384 : i32
    %add3A_97 = arith.addi %mul3A_95, %add3A_96 : i32
    %mul3A_98 = arith.constant 10240 : i32
    %mul3A_99 = arith.muli %arg0, %mul3A_98 : i32
    %mul3A_100 = arith.constant 640 : i32
    %mul3A_101 = arith.muli %arg1, %mul3A_100 : i32
    %add3A_102 = arith.addi %mul3A_99, %mul3A_101 : i32
    %add3A_103 = arith.constant 384 : i32
    %add3A_104 = arith.addi %add3A_102, %add3A_103 : i32
    "tpu.region"() ({
      %run_scoped3A = tpu.sem_alloc : memref<!tpu.dma_semaphore, #tpu.memory_space<semaphore_mem>>
      %dma_start3A = arith.constant 0 : i32
      %dma_start3A_116 = tpu.memref_slice %arg5[%add3A_104, %dma_start3A] : memref<20480x128xf32, #tpu.memory_space<hbm>> -> memref<128x128xf32, #tpu.memory_space<hbm>>
      %dma_start3A_117 = arith.constant 0 : i32
      %dma_start3A_118 = tpu.memref_slice %arg10[%add3A_97, %dma_start3A_117] : memref<10240x128xf32, #tpu.memory_space<vmem_shared>> -> memref<128x128xf32, #tpu.memory_space<vmem_shared>>
      tpu.enqueue_dma source(%dma_start3A_118 : memref<128x128xf32, #tpu.memory_space<vmem_shared>>) target(%dma_start3A_116 : memref<128x128xf32, #tpu.memory_space<hbm>>) target_semaphore(%run_scoped3A : memref<!tpu.dma_semaphore, #tpu.memory_space<semaphore_mem>>)
      %dma_wait3A = arith.constant 0 : i32
      %dma_wait3A_119 = tpu.memref_slice %arg5[%add3A_104, %dma_wait3A] : memref<20480x128xf32, #tpu.memory_space<hbm>> -> memref<128x128xf32, #tpu.memory_space<hbm>>
      %dma_wait3A_120 = arith.constant 0 : i32
      %dma_wait3A_121 = tpu.memref_slice %arg10[%add3A_97, %dma_wait3A_120] : memref<10240x128xf32, #tpu.memory_space<vmem_shared>> -> memref<128x128xf32, #tpu.memory_space<vmem_shared>>
      tpu.wait_dma2 semaphore(%run_scoped3A : memref<!tpu.dma_semaphore, #tpu.memory_space<semaphore_mem>>) src(%dma_wait3A_121 : memref<128x128xf32, #tpu.memory_space<vmem_shared>>) dst(%dma_wait3A_119 : memref<128x128xf32, #tpu.memory_space<hbm>>)
      tpu.yield
    }) : () -> ()
    %mul3A_105 = arith.constant 640 : i32
    %mul3A_106 = arith.muli %arg1, %mul3A_105 : i32
    %add3A_107 = arith.constant 512 : i32
    %add3A_108 = arith.addi %mul3A_106, %add3A_107 : i32
    %mul3A_109 = arith.constant 10240 : i32
    %mul3A_110 = arith.muli %arg0, %mul3A_109 : i32
    %mul3A_111 = arith.constant 640 : i32
    %mul3A_112 = arith.muli %arg1, %mul3A_111 : i32
    %add3A_113 = arith.addi %mul3A_110, %mul3A_112 : i32
    %add3A_114 = arith.constant 512 : i32
    %add3A_115 = arith.addi %add3A_113, %add3A_114 : i32
    "tpu.region"() ({
      %run_scoped3A = tpu.sem_alloc : memref<!tpu.dma_semaphore, #tpu.memory_space<semaphore_mem>>
      %dma_start3A = arith.constant 0 : i32
      %dma_start3A_116 = tpu.memref_slice %arg5[%add3A_115, %dma_start3A] : memref<20480x128xf32, #tpu.memory_space<hbm>> -> memref<128x128xf32, #tpu.memory_space<hbm>>
      %dma_start3A_117 = arith.constant 0 : i32
      %dma_start3A_118 = tpu.memref_slice %arg10[%add3A_108, %dma_start3A_117] : memref<10240x128xf32, #tpu.memory_space<vmem_shared>> -> memref<128x128xf32, #tpu.memory_space<vmem_shared>>
      tpu.enqueue_dma source(%dma_start3A_118 : memref<128x128xf32, #tpu.memory_space<vmem_shared>>) target(%dma_start3A_116 : memref<128x128xf32, #tpu.memory_space<hbm>>) target_semaphore(%run_scoped3A : memref<!tpu.dma_semaphore, #tpu.memory_space<semaphore_mem>>)
      %dma_wait3A = arith.constant 0 : i32
      %dma_wait3A_119 = tpu.memref_slice %arg5[%add3A_115, %dma_wait3A] : memref<20480x128xf32, #tpu.memory_space<hbm>> -> memref<128x128xf32, #tpu.memory_space<hbm>>
      %dma_wait3A_120 = arith.constant 0 : i32
      %dma_wait3A_121 = tpu.memref_slice %arg10[%add3A_108, %dma_wait3A_120] : memref<10240x128xf32, #tpu.memory_space<vmem_shared>> -> memref<128x128xf32, #tpu.memory_space<vmem_shared>>
      tpu.wait_dma2 semaphore(%run_scoped3A : memref<!tpu.dma_semaphore, #tpu.memory_space<semaphore_mem>>) src(%dma_wait3A_121 : memref<128x128xf32, #tpu.memory_space<vmem_shared>>) dst(%dma_wait3A_119 : memref<128x128xf32, #tpu.memory_space<hbm>>)
      tpu.yield
    }) : () -> ()
    return
  }
}

#map = affine_map<(d0, d1) -> (0, 0)>
#map1 = affine_map<(d0, d1) -> (0)>
module attributes {stable_mosaic.version = 14 : i64} {
  func.func @_sc_msgpass(%arg0: i32, %arg1: i32, %arg2: memref<10000x128xf32, #tpu.memory_space<hbm>>, %arg3: memref<320000xi32, #tpu.memory_space<hbm>>, %arg4: memref<320000xi32, #tpu.memory_space<hbm>>, %arg5: memref<20480x128xf32, #tpu.memory_space<hbm>>, %arg6: memref<128xi32, #tpu.memory_space<vmem>>, %arg7: memref<128xi32, #tpu.memory_space<vmem>>, %arg8: memref<128x128xf32, #tpu.memory_space<vmem>>, %arg9: memref<128x128xf32, #tpu.memory_space<vmem>>, %arg10: memref<10240x128xf32, #tpu.memory_space<vmem_shared>>, %arg11: memref<!tpu.dma_semaphore, #tpu.memory_space<semaphore_mem>>) attributes {dimension_semantics = [#tpu.dimension_semantics<core_parallel>, #tpu.dimension_semantics<subcore_parallel>], iteration_bounds = array<i64: 2, 16>, scalar_prefetch = 0 : i64, scratch_operands = 6 : i64, tpu.core_type = #tpu.core_type<sc_vector_subcore>, window_params = [{transform_indices = #map}, {transform_indices = #map1}, {transform_indices = #map1}, {transform_indices = #map}]} {
    %mul3A = arith.constant 2 : i32
    %mul3A_0 = arith.muli %arg1, %mul3A : i32
    %add3A = arith.addi %mul3A_0, %arg0 : i32
    %scan3A = arith.constant 0 : i32
    %scan3A_1 = arith.constant 0 : i32
    %scan3A_2 = arith.constant 128 : i32
    %scan3A_3 = arith.addi %scan3A_1, %scan3A_2 : i32
    %scan3A_4 = arith.constant 1 : i32
    %scan3A_5 = scf.for %scan3A_116 = %scan3A_1 to %scan3A_3 step %scan3A_4 iter_args(%scan3A_117 = %scan3A) -> (i32)  : i32 {
      %broadcast_in_dim3A = arith.constant 0.000000e+00 : f32
      %broadcast_in_dim3A_118 = vector.broadcast %broadcast_in_dim3A : f32 to vector<16xf32>
      %swap3A = arith.index_cast %scan3A_116 : i32 to index
      %swap3A_119 = arith.constant 0 : index
      %swap3A_120 = tpu.vector_load %arg9[%swap3A, %swap3A_119] {strides = array<i32>} : memref<128x128xf32, #tpu.memory_space<vmem>>, vector<1x16xf32>,
      %swap3A_121 = vector.shape_cast %swap3A_120 : vector<1x16xf32> to vector<16xf32>
      %swap3A_122 = vector.shape_cast %broadcast_in_dim3A_118 : vector<16xf32> to vector<1x16xf32>
      tpu.vector_store %arg9[%swap3A, %swap3A_119], %swap3A_122 {strides = array<i32>} : memref<128x128xf32, #tpu.memory_space<vmem>>, vector<1x16xf32>,
      %broadcast_in_dim3A_123 = arith.constant 0.000000e+00 : f32
      %broadcast_in_dim3A_124 = vector.broadcast %broadcast_in_dim3A_123 : f32 to vector<16xf32>
      %swap3A_125 = arith.index_cast %scan3A_116 : i32 to index
      %swap3A_126 = arith.constant 16 : index
      %swap3A_127 = tpu.vector_load %arg9[%swap3A_125, %swap3A_126] {strides = array<i32>} : memref<128x128xf32, #tpu.memory_space<vmem>>, vector<1x16xf32>,
      %swap3A_128 = vector.shape_cast %swap3A_127 : vector<1x16xf32> to vector<16xf32>
      %swap3A_129 = vector.shape_cast %broadcast_in_dim3A_124 : vector<16xf32> to vector<1x16xf32>
      tpu.vector_store %arg9[%swap3A_125, %swap3A_126], %swap3A_129 {strides = array<i32>} : memref<128x128xf32, #tpu.memory_space<vmem>>, vector<1x16xf32>,
      %broadcast_in_dim3A_130 = arith.constant 0.000000e+00 : f32
      %broadcast_in_dim3A_131 = vector.broadcast %broadcast_in_dim3A_130 : f32 to vector<16xf32>
      %swap3A_132 = arith.index_cast %scan3A_116 : i32 to index
      %swap3A_133 = arith.constant 32 : index
      %swap3A_134 = tpu.vector_load %arg9[%swap3A_132, %swap3A_133] {strides = array<i32>} : memref<128x128xf32, #tpu.memory_space<vmem>>, vector<1x16xf32>,
      %swap3A_135 = vector.shape_cast %swap3A_134 : vector<1x16xf32> to vector<16xf32>
      %swap3A_136 = vector.shape_cast %broadcast_in_dim3A_131 : vector<16xf32> to vector<1x16xf32>
      tpu.vector_store %arg9[%swap3A_132, %swap3A_133], %swap3A_136 {strides = array<i32>} : memref<128x128xf32, #tpu.memory_space<vmem>>, vector<1x16xf32>,
      %broadcast_in_dim3A_137 = arith.constant 0.000000e+00 : f32
      %broadcast_in_dim3A_138 = vector.broadcast %broadcast_in_dim3A_137 : f32 to vector<16xf32>
      %swap3A_139 = arith.index_cast %scan3A_116 : i32 to index
      %swap3A_140 = arith.constant 48 : index
      %swap3A_141 = tpu.vector_load %arg9[%swap3A_139, %swap3A_140] {strides = array<i32>} : memref<128x128xf32, #tpu.memory_space<vmem>>, vector<1x16xf32>,
      %swap3A_142 = vector.shape_cast %swap3A_141 : vector<1x16xf32> to vector<16xf32>
      %swap3A_143 = vector.shape_cast %broadcast_in_dim3A_138 : vector<16xf32> to vector<1x16xf32>
      tpu.vector_store %arg9[%swap3A_139, %swap3A_140], %swap3A_143 {strides = array<i32>} : memref<128x128xf32, #tpu.memory_space<vmem>>, vector<1x16xf32>,
      %broadcast_in_dim3A_144 = arith.constant 0.000000e+00 : f32
      %broadcast_in_dim3A_145 = vector.broadcast %broadcast_in_dim3A_144 : f32 to vector<16xf32>
      %swap3A_146 = arith.index_cast %scan3A_116 : i32 to index
      %swap3A_147 = arith.constant 64 : index
      %swap3A_148 = tpu.vector_load %arg9[%swap3A_146, %swap3A_147] {strides = array<i32>} : memref<128x128xf32, #tpu.memory_space<vmem>>, vector<1x16xf32>,
      %swap3A_149 = vector.shape_cast %swap3A_148 : vector<1x16xf32> to vector<16xf32>
      %swap3A_150 = vector.shape_cast %broadcast_in_dim3A_145 : vector<16xf32> to vector<1x16xf32>
      tpu.vector_store %arg9[%swap3A_146, %swap3A_147], %swap3A_150 {strides = array<i32>} : memref<128x128xf32, #tpu.memory_space<vmem>>, vector<1x16xf32>,
      %broadcast_in_dim3A_151 = arith.constant 0.000000e+00 : f32
      %broadcast_in_dim3A_152 = vector.broadcast %broadcast_in_dim3A_151 : f32 to vector<16xf32>
      %swap3A_153 = arith.index_cast %scan3A_116 : i32 to index
      %swap3A_154 = arith.constant 80 : index
      %swap3A_155 = tpu.vector_load %arg9[%swap3A_153, %swap3A_154] {strides = array<i32>} : memref<128x128xf32, #tpu.memory_space<vmem>>, vector<1x16xf32>,
      %swap3A_156 = vector.shape_cast %swap3A_155 : vector<1x16xf32> to vector<16xf32>
      %swap3A_157 = vector.shape_cast %broadcast_in_dim3A_152 : vector<16xf32> to vector<1x16xf32>
      tpu.vector_store %arg9[%swap3A_153, %swap3A_154], %swap3A_157 {strides = array<i32>} : memref<128x128xf32, #tpu.memory_space<vmem>>, vector<1x16xf32>,
      %broadcast_in_dim3A_158 = arith.constant 0.000000e+00 : f32
      %broadcast_in_dim3A_159 = vector.broadcast %broadcast_in_dim3A_158 : f32 to vector<16xf32>
      %swap3A_160 = arith.index_cast %scan3A_116 : i32 to index
      %swap3A_161 = arith.constant 96 : index
      %swap3A_162 = tpu.vector_load %arg9[%swap3A_160, %swap3A_161] {strides = array<i32>} : memref<128x128xf32, #tpu.memory_space<vmem>>, vector<1x16xf32>,
      %swap3A_163 = vector.shape_cast %swap3A_162 : vector<1x16xf32> to vector<16xf32>
      %swap3A_164 = vector.shape_cast %broadcast_in_dim3A_159 : vector<16xf32> to vector<1x16xf32>
      tpu.vector_store %arg9[%swap3A_160, %swap3A_161], %swap3A_164 {strides = array<i32>} : memref<128x128xf32, #tpu.memory_space<vmem>>, vector<1x16xf32>,
      %broadcast_in_dim3A_165 = arith.constant 0.000000e+00 : f32
      %broadcast_in_dim3A_166 = vector.broadcast %broadcast_in_dim3A_165 : f32 to vector<16xf32>
      %swap3A_167 = arith.index_cast %scan3A_116 : i32 to index
      %swap3A_168 = arith.constant 112 : index
      %swap3A_169 = tpu.vector_load %arg9[%swap3A_167, %swap3A_168] {strides = array<i32>} : memref<128x128xf32, #tpu.memory_space<vmem>>, vector<1x16xf32>,
      %swap3A_170 = vector.shape_cast %swap3A_169 : vector<1x16xf32> to vector<16xf32>
      %swap3A_171 = vector.shape_cast %broadcast_in_dim3A_166 : vector<16xf32> to vector<1x16xf32>
      tpu.vector_store %arg9[%swap3A_167, %swap3A_168], %swap3A_171 {strides = array<i32>} : memref<128x128xf32, #tpu.memory_space<vmem>>, vector<1x16xf32>,
      %scan3A_172 = arith.constant 0 : i32
      scf.yield %scan3A_172 : i32
    }
    %scan3A_6 = arith.constant 128 : i32
    %mul3A_7 = arith.constant 640 : i32
    %mul3A_8 = arith.muli %arg1, %mul3A_7 : i32
    %add3A_9 = arith.constant 0 : i32
    %add3A_10 = arith.addi %mul3A_8, %add3A_9 : i32
    "tpu.region"() ({
      %run_scoped3A = tpu.sem_alloc : memref<!tpu.dma_semaphore, #tpu.memory_space<semaphore_mem>>
      %dma_start3A = arith.constant 0 : i32
      %dma_start3A_116 = tpu.memref_slice %arg10[%add3A_10, %dma_start3A] : memref<10240x128xf32, #tpu.memory_space<vmem_shared>> -> memref<128x128xf32, #tpu.memory_space<vmem_shared>>
      %dma_start3A_117 = arith.constant 0 : i32
      %dma_start3A_118 = tpu.memref_slice %arg10[%add3A_10, %dma_start3A_117] : memref<10240x128xf32, #tpu.memory_space<vmem_shared>> -> memref<128x128xf32, #tpu.memory_space<vmem_shared>>
      tpu.enqueue_dma source(%arg9 : memref<128x128xf32, #tpu.memory_space<vmem>>) target(%dma_start3A_118 : memref<128x128xf32, #tpu.memory_space<vmem_shared>>) target_semaphore(%run_scoped3A : memref<!tpu.dma_semaphore, #tpu.memory_space<semaphore_mem>>)
      %dma_wait3A = arith.constant 0 : i32
      %dma_wait3A_119 = tpu.memref_slice %arg10[%add3A_10, %dma_wait3A] : memref<10240x128xf32, #tpu.memory_space<vmem_shared>> -> memref<128x128xf32, #tpu.memory_space<vmem_shared>>
      %dma_wait3A_120 = arith.constant 0 : i32
      %dma_wait3A_121 = tpu.memref_slice %arg10[%add3A_10, %dma_wait3A_120] : memref<10240x128xf32, #tpu.memory_space<vmem_shared>> -> memref<128x128xf32, #tpu.memory_space<vmem_shared>>
      tpu.wait_dma2 semaphore(%run_scoped3A : memref<!tpu.dma_semaphore, #tpu.memory_space<semaphore_mem>>) src(%arg9 : memref<128x128xf32, #tpu.memory_space<vmem>>) dst(%dma_wait3A_121 : memref<128x128xf32, #tpu.memory_space<vmem_shared>>)
      tpu.yield
    }) : () -> ()
    %mul3A_11 = arith.constant 640 : i32
    %mul3A_12 = arith.muli %arg1, %mul3A_11 : i32
    %add3A_13 = arith.constant 128 : i32
    %add3A_14 = arith.addi %mul3A_12, %add3A_13 : i32
    "tpu.region"() ({
      %run_scoped3A = tpu.sem_alloc : memref<!tpu.dma_semaphore, #tpu.memory_space<semaphore_mem>>
      %dma_start3A = arith.constant 0 : i32
      %dma_start3A_116 = tpu.memref_slice %arg10[%add3A_14, %dma_start3A] : memref<10240x128xf32, #tpu.memory_space<vmem_shared>> -> memref<128x128xf32, #tpu.memory_space<vmem_shared>>
      %dma_start3A_117 = arith.constant 0 : i32
      %dma_start3A_118 = tpu.memref_slice %arg10[%add3A_14, %dma_start3A_117] : memref<10240x128xf32, #tpu.memory_space<vmem_shared>> -> memref<128x128xf32, #tpu.memory_space<vmem_shared>>
      tpu.enqueue_dma source(%arg9 : memref<128x128xf32, #tpu.memory_space<vmem>>) target(%dma_start3A_118 : memref<128x128xf32, #tpu.memory_space<vmem_shared>>) target_semaphore(%run_scoped3A : memref<!tpu.dma_semaphore, #tpu.memory_space<semaphore_mem>>)
      %dma_wait3A = arith.constant 0 : i32
      %dma_wait3A_119 = tpu.memref_slice %arg10[%add3A_14, %dma_wait3A] : memref<10240x128xf32, #tpu.memory_space<vmem_shared>> -> memref<128x128xf32, #tpu.memory_space<vmem_shared>>
      %dma_wait3A_120 = arith.constant 0 : i32
      %dma_wait3A_121 = tpu.memref_slice %arg10[%add3A_14, %dma_wait3A_120] : memref<10240x128xf32, #tpu.memory_space<vmem_shared>> -> memref<128x128xf32, #tpu.memory_space<vmem_shared>>
      tpu.wait_dma2 semaphore(%run_scoped3A : memref<!tpu.dma_semaphore, #tpu.memory_space<semaphore_mem>>) src(%arg9 : memref<128x128xf32, #tpu.memory_space<vmem>>) dst(%dma_wait3A_121 : memref<128x128xf32, #tpu.memory_space<vmem_shared>>)
      tpu.yield
    }) : () -> ()
    %mul3A_15 = arith.constant 640 : i32
    %mul3A_16 = arith.muli %arg1, %mul3A_15 : i32
    %add3A_17 = arith.constant 256 : i32
    %add3A_18 = arith.addi %mul3A_16, %add3A_17 : i32
    "tpu.region"() ({
      %run_scoped3A = tpu.sem_alloc : memref<!tpu.dma_semaphore, #tpu.memory_space<semaphore_mem>>
      %dma_start3A = arith.constant 0 : i32
      %dma_start3A_116 = tpu.memref_slice %arg10[%add3A_18, %dma_start3A] : memref<10240x128xf32, #tpu.memory_space<vmem_shared>> -> memref<128x128xf32, #tpu.memory_space<vmem_shared>>
      %dma_start3A_117 = arith.constant 0 : i32
      %dma_start3A_118 = tpu.memref_slice %arg10[%add3A_18, %dma_start3A_117] : memref<10240x128xf32, #tpu.memory_space<vmem_shared>> -> memref<128x128xf32, #tpu.memory_space<vmem_shared>>
      tpu.enqueue_dma source(%arg9 : memref<128x128xf32, #tpu.memory_space<vmem>>) target(%dma_start3A_118 : memref<128x128xf32, #tpu.memory_space<vmem_shared>>) target_semaphore(%run_scoped3A : memref<!tpu.dma_semaphore, #tpu.memory_space<semaphore_mem>>)
      %dma_wait3A = arith.constant 0 : i32
      %dma_wait3A_119 = tpu.memref_slice %arg10[%add3A_18, %dma_wait3A] : memref<10240x128xf32, #tpu.memory_space<vmem_shared>> -> memref<128x128xf32, #tpu.memory_space<vmem_shared>>
      %dma_wait3A_120 = arith.constant 0 : i32
      %dma_wait3A_121 = tpu.memref_slice %arg10[%add3A_18, %dma_wait3A_120] : memref<10240x128xf32, #tpu.memory_space<vmem_shared>> -> memref<128x128xf32, #tpu.memory_space<vmem_shared>>
      tpu.wait_dma2 semaphore(%run_scoped3A : memref<!tpu.dma_semaphore, #tpu.memory_space<semaphore_mem>>) src(%arg9 : memref<128x128xf32, #tpu.memory_space<vmem>>) dst(%dma_wait3A_121 : memref<128x128xf32, #tpu.memory_space<vmem_shared>>)
      tpu.yield
    }) : () -> ()
    %mul3A_19 = arith.constant 640 : i32
    %mul3A_20 = arith.muli %arg1, %mul3A_19 : i32
    %add3A_21 = arith.constant 384 : i32
    %add3A_22 = arith.addi %mul3A_20, %add3A_21 : i32
    "tpu.region"() ({
      %run_scoped3A = tpu.sem_alloc : memref<!tpu.dma_semaphore, #tpu.memory_space<semaphore_mem>>
      %dma_start3A = arith.constant 0 : i32
      %dma_start3A_116 = tpu.memref_slice %arg10[%add3A_22, %dma_start3A] : memref<10240x128xf32, #tpu.memory_space<vmem_shared>> -> memref<128x128xf32, #tpu.memory_space<vmem_shared>>
      %dma_start3A_117 = arith.constant 0 : i32
      %dma_start3A_118 = tpu.memref_slice %arg10[%add3A_22, %dma_start3A_117] : memref<10240x128xf32, #tpu.memory_space<vmem_shared>> -> memref<128x128xf32, #tpu.memory_space<vmem_shared>>
      tpu.enqueue_dma source(%arg9 : memref<128x128xf32, #tpu.memory_space<vmem>>) target(%dma_start3A_118 : memref<128x128xf32, #tpu.memory_space<vmem_shared>>) target_semaphore(%run_scoped3A : memref<!tpu.dma_semaphore, #tpu.memory_space<semaphore_mem>>)
      %dma_wait3A = arith.constant 0 : i32
      %dma_wait3A_119 = tpu.memref_slice %arg10[%add3A_22, %dma_wait3A] : memref<10240x128xf32, #tpu.memory_space<vmem_shared>> -> memref<128x128xf32, #tpu.memory_space<vmem_shared>>
      %dma_wait3A_120 = arith.constant 0 : i32
      %dma_wait3A_121 = tpu.memref_slice %arg10[%add3A_22, %dma_wait3A_120] : memref<10240x128xf32, #tpu.memory_space<vmem_shared>> -> memref<128x128xf32, #tpu.memory_space<vmem_shared>>
      tpu.wait_dma2 semaphore(%run_scoped3A : memref<!tpu.dma_semaphore, #tpu.memory_space<semaphore_mem>>) src(%arg9 : memref<128x128xf32, #tpu.memory_space<vmem>>) dst(%dma_wait3A_121 : memref<128x128xf32, #tpu.memory_space<vmem_shared>>)
      tpu.yield
    }) : () -> ()
    %mul3A_23 = arith.constant 640 : i32
    %mul3A_24 = arith.muli %arg1, %mul3A_23 : i32
    %add3A_25 = arith.constant 512 : i32
    %add3A_26 = arith.addi %mul3A_24, %add3A_25 : i32
    "tpu.region"() ({
      %run_scoped3A = tpu.sem_alloc : memref<!tpu.dma_semaphore, #tpu.memory_space<semaphore_mem>>
      %dma_start3A = arith.constant 0 : i32
      %dma_start3A_116 = tpu.memref_slice %arg10[%add3A_26, %dma_start3A] : memref<10240x128xf32, #tpu.memory_space<vmem_shared>> -> memref<128x128xf32, #tpu.memory_space<vmem_shared>>
      %dma_start3A_117 = arith.constant 0 : i32
      %dma_start3A_118 = tpu.memref_slice %arg10[%add3A_26, %dma_start3A_117] : memref<10240x128xf32, #tpu.memory_space<vmem_shared>> -> memref<128x128xf32, #tpu.memory_space<vmem_shared>>
      tpu.enqueue_dma source(%arg9 : memref<128x128xf32, #tpu.memory_space<vmem>>) target(%dma_start3A_118 : memref<128x128xf32, #tpu.memory_space<vmem_shared>>) target_semaphore(%run_scoped3A : memref<!tpu.dma_semaphore, #tpu.memory_space<semaphore_mem>>)
      %dma_wait3A = arith.constant 0 : i32
      %dma_wait3A_119 = tpu.memref_slice %arg10[%add3A_26, %dma_wait3A] : memref<10240x128xf32, #tpu.memory_space<vmem_shared>> -> memref<128x128xf32, #tpu.memory_space<vmem_shared>>
      %dma_wait3A_120 = arith.constant 0 : i32
      %dma_wait3A_121 = tpu.memref_slice %arg10[%add3A_26, %dma_wait3A_120] : memref<10240x128xf32, #tpu.memory_space<vmem_shared>> -> memref<128x128xf32, #tpu.memory_space<vmem_shared>>
      tpu.wait_dma2 semaphore(%run_scoped3A : memref<!tpu.dma_semaphore, #tpu.memory_space<semaphore_mem>>) src(%arg9 : memref<128x128xf32, #tpu.memory_space<vmem>>) dst(%dma_wait3A_121 : memref<128x128xf32, #tpu.memory_space<vmem_shared>>)
      tpu.yield
    }) : () -> ()
    %barrier3A = arith.constant 0 : index
    tpu.barrier barrier_id(%barrier3A)
    %sub3A = arith.constant 2500 : i32
    %sub3A_27 = arith.subi %sub3A, %add3A : i32
    %add3A_28 = arith.constant 32 : i32
    %add3A_29 = arith.addi %sub3A_27, %add3A_28 : i32
    %sub3A_30 = arith.constant 1 : i32
    %sub3A_31 = arith.subi %add3A_29, %sub3A_30 : i32
    %jit3A = arith.constant 32 : i32
    %div3A = arith.divsi %sub3A_31, %jit3A : i32
    %sign3A = arith.constant 0 : i32
    %sign3A_32 = arith.cmpi sgt, %sub3A_31, %sign3A : i32
    %sign3A_33 = arith.extui %sign3A_32 : i1 to i32
    %sign3A_34 = arith.constant 0 : i32
    %sign3A_35 = arith.cmpi slt, %sub3A_31, %sign3A_34 : i32
    %sign3A_36 = arith.extui %sign3A_35 : i1 to i32
    %sign3A_37 = arith.subi %sign3A_33, %sign3A_36 : i32
    %sign3A_38 = arith.constant 0 : i32
    %sign3A_39 = arith.cmpi sgt, %jit3A, %sign3A_38 : i32
    %sign3A_40 = arith.extui %sign3A_39 : i1 to i32
    %sign3A_41 = arith.constant 0 : i32
    %sign3A_42 = arith.cmpi slt, %jit3A, %sign3A_41 : i32
    %sign3A_43 = arith.extui %sign3A_42 : i1 to i32
    %sign3A_44 = arith.subi %sign3A_40, %sign3A_43 : i32
    %ne3A = arith.cmpi ne, %sign3A_37, %sign3A_44 : i32
    %rem3A = arith.remsi %sub3A_31, %jit3A : i32
    %ne3A_45 = arith.constant 0 : i32
    %ne3A_46 = arith.cmpi ne, %rem3A, %ne3A_45 : i32
    %and3A = arith.andi %ne3A, %ne3A_46 : i1
    %sub3A_47 = arith.constant 1 : i32
    %sub3A_48 = arith.subi %div3A, %sub3A_47 : i32
    %select_n3A = arith.select %and3A, %sub3A_48, %div3A : i32
    %while3A = arith.constant 0 : i32
    %while3A_49 = arith.constant 0 : i32
    %while3A_50 = arith.subi %select_n3A, %while3A : i32
    %while3A_51 = arith.addi %while3A, %while3A_50 : i32
    %while3A_52 = arith.constant 1 : i32
    %while3A_53 = arith.divsi %while3A_50, %while3A_52 : i32
    %while3A_54 = arith.muli %while3A_53, %while3A_52 : i32
    %while3A_55 = arith.addi %while3A, %while3A_54 : i32
    %while3A_56 = arith.constant 1 : i32
    %while3A_57 = scf.for %while3A_116 = %while3A to %while3A_55 step %while3A_56 iter_args(%while3A_117 = %while3A_49) -> (i32)  : i32 {
      %mul3A_118 = arith.constant 32 : i32
      %mul3A_119 = arith.muli %while3A_116, %mul3A_118 : i32
      %add3A_120 = arith.addi %add3A, %mul3A_119 : i32
      %mul3A_121 = arith.constant 128 : i32
      %mul3A_122 = arith.muli %add3A_120, %mul3A_121 : i32
      "tpu.region"() ({
        %run_scoped3A = tpu.sem_alloc : memref<!tpu.dma_semaphore, #tpu.memory_space<semaphore_mem>>
        %dma_start3A_128 = tpu.memref_slice %arg3[%mul3A_122] : memref<320000xi32, #tpu.memory_space<hbm>> -> memref<128xi32, #tpu.memory_space<hbm>>
        %dma_start3A_129 = tpu.memref_slice %arg3[%mul3A_122] : memref<320000xi32, #tpu.memory_space<hbm>> -> memref<128xi32, #tpu.memory_space<hbm>>
        tpu.enqueue_dma source(%dma_start3A_129 : memref<128xi32, #tpu.memory_space<hbm>>) target(%arg6 : memref<128xi32, #tpu.memory_space<vmem>>) target_semaphore(%run_scoped3A : memref<!tpu.dma_semaphore, #tpu.memory_space<semaphore_mem>>)
        %dma_wait3A_130 = tpu.memref_slice %arg3[%mul3A_122] : memref<320000xi32, #tpu.memory_space<hbm>> -> memref<128xi32, #tpu.memory_space<hbm>>
        %dma_wait3A_131 = tpu.memref_slice %arg3[%mul3A_122] : memref<320000xi32, #tpu.memory_space<hbm>> -> memref<128xi32, #tpu.memory_space<hbm>>
        tpu.wait_dma2 semaphore(%run_scoped3A : memref<!tpu.dma_semaphore, #tpu.memory_space<semaphore_mem>>) src(%dma_wait3A_131 : memref<128xi32, #tpu.memory_space<hbm>>) dst(%arg6 : memref<128xi32, #tpu.memory_space<vmem>>)
        tpu.yield
      }) : () -> ()
      "tpu.region"() ({
        %run_scoped3A = tpu.sem_alloc : memref<!tpu.dma_semaphore, #tpu.memory_space<semaphore_mem>>
        %dma_start3A_128 = tpu.memref_slice %arg4[%mul3A_122] : memref<320000xi32, #tpu.memory_space<hbm>> -> memref<128xi32, #tpu.memory_space<hbm>>
        %dma_start3A_129 = tpu.memref_slice %arg4[%mul3A_122] : memref<320000xi32, #tpu.memory_space<hbm>> -> memref<128xi32, #tpu.memory_space<hbm>>
        tpu.enqueue_dma source(%dma_start3A_129 : memref<128xi32, #tpu.memory_space<hbm>>) target(%arg7 : memref<128xi32, #tpu.memory_space<vmem>>) target_semaphore(%run_scoped3A : memref<!tpu.dma_semaphore, #tpu.memory_space<semaphore_mem>>)
        %dma_wait3A_130 = tpu.memref_slice %arg4[%mul3A_122] : memref<320000xi32, #tpu.memory_space<hbm>> -> memref<128xi32, #tpu.memory_space<hbm>>
        %dma_wait3A_131 = tpu.memref_slice %arg4[%mul3A_122] : memref<320000xi32, #tpu.memory_space<hbm>> -> memref<128xi32, #tpu.memory_space<hbm>>
        tpu.wait_dma2 semaphore(%run_scoped3A : memref<!tpu.dma_semaphore, #tpu.memory_space<semaphore_mem>>) src(%dma_wait3A_131 : memref<128xi32, #tpu.memory_space<hbm>>) dst(%arg7 : memref<128xi32, #tpu.memory_space<vmem>>)
        tpu.yield
      }) : () -> ()
      %dma_start3A = arith.constant 0 : i32
      %dma_start3A_123 = arith.constant 0 : i32
      %dma_start3A_124 = tpu.memref_slice %arg2[%dma_start3A, %dma_start3A_123] : memref<10000x128xf32, #tpu.memory_space<hbm>> -> memref<10000x128xf32, #tpu.memory_space<hbm>>
      tpu.enqueue_indirect_dma source(%dma_start3A_124 : memref<10000x128xf32, #tpu.memory_space<hbm>>) target(%arg8 : memref<128x128xf32, #tpu.memory_space<vmem>>) offsets(%arg6 : memref<128xi32, #tpu.memory_space<vmem>>) semaphore(%arg11 : memref<!tpu.dma_semaphore, #tpu.memory_space<semaphore_mem>>)
      %dma_wait3A = arith.constant 0 : i32
      %dma_wait3A_125 = arith.constant 0 : i32
      %dma_wait3A_126 = tpu.memref_slice %arg2[%dma_wait3A, %dma_wait3A_125] : memref<10000x128xf32, #tpu.memory_space<hbm>> -> memref<10000x128xf32, #tpu.memory_space<hbm>>
      tpu.wait_indirect_dma semaphore(%arg11 : memref<!tpu.dma_semaphore, #tpu.memory_space<semaphore_mem>>) src(%dma_wait3A_126 : memref<10000x128xf32, #tpu.memory_space<hbm>>) dst(%arg8 : memref<128x128xf32, #tpu.memory_space<vmem>>)
      "tpu.region"() ({
        %run_scoped3A = tpu.sem_alloc : memref<!tpu.dma_semaphore, #tpu.memory_space<semaphore_mem>>
        %dma_start3A_128 = arith.constant 0 : i32
        %dma_start3A_129 = arith.constant 0 : i32
        %dma_start3A_130 = tpu.memref_slice %arg10[%dma_start3A_128, %dma_start3A_129] : memref<10240x128xf32, #tpu.memory_space<vmem_shared>> -> memref<10240x128xf32, #tpu.memory_space<vmem_shared>>
        tpu.enqueue_indirect_dma source(%arg8 : memref<128x128xf32, #tpu.memory_space<vmem>>) target(%dma_start3A_130 : memref<10240x128xf32, #tpu.memory_space<vmem_shared>>) offsets(%arg7 : memref<128xi32, #tpu.memory_space<vmem>>) semaphore(%run_scoped3A : memref<!tpu.dma_semaphore, #tpu.memory_space<semaphore_mem>>) {add = true}
        %dma_wait3A_131 = arith.constant 0 : i32
        %dma_wait3A_132 = arith.constant 0 : i32
        %dma_wait3A_133 = tpu.memref_slice %arg10[%dma_wait3A_131, %dma_wait3A_132] : memref<10240x128xf32, #tpu.memory_space<vmem_shared>> -> memref<10240x128xf32, #tpu.memory_space<vmem_shared>>
        tpu.wait_indirect_dma semaphore(%run_scoped3A : memref<!tpu.dma_semaphore, #tpu.memory_space<semaphore_mem>>) src(%arg8 : memref<128x128xf32, #tpu.memory_space<vmem>>) dst(%dma_wait3A_133 : memref<10240x128xf32, #tpu.memory_space<vmem_shared>>)
        tpu.yield
      }) : () -> ()
      %while3A_127 = arith.constant 0 : i32
      scf.yield %while3A_127 : i32
    }
    %while3A_58 = arith.constant 1 : i32
    %while3A_59 = scf.for %while3A_116 = %while3A_55 to %while3A_51 step %while3A_58 iter_args(%while3A_117 = %while3A_57) -> (i32)  : i32 {
      %mul3A_118 = arith.constant 32 : i32
      %mul3A_119 = arith.muli %while3A_116, %mul3A_118 : i32
      %add3A_120 = arith.addi %add3A, %mul3A_119 : i32
      %mul3A_121 = arith.constant 128 : i32
      %mul3A_122 = arith.muli %add3A_120, %mul3A_121 : i32
      "tpu.region"() ({
        %run_scoped3A = tpu.sem_alloc : memref<!tpu.dma_semaphore, #tpu.memory_space<semaphore_mem>>
        %dma_start3A_128 = tpu.memref_slice %arg3[%mul3A_122] : memref<320000xi32, #tpu.memory_space<hbm>> -> memref<128xi32, #tpu.memory_space<hbm>>
        %dma_start3A_129 = tpu.memref_slice %arg3[%mul3A_122] : memref<320000xi32, #tpu.memory_space<hbm>> -> memref<128xi32, #tpu.memory_space<hbm>>
        tpu.enqueue_dma source(%dma_start3A_129 : memref<128xi32, #tpu.memory_space<hbm>>) target(%arg6 : memref<128xi32, #tpu.memory_space<vmem>>) target_semaphore(%run_scoped3A : memref<!tpu.dma_semaphore, #tpu.memory_space<semaphore_mem>>)
        %dma_wait3A_130 = tpu.memref_slice %arg3[%mul3A_122] : memref<320000xi32, #tpu.memory_space<hbm>> -> memref<128xi32, #tpu.memory_space<hbm>>
        %dma_wait3A_131 = tpu.memref_slice %arg3[%mul3A_122] : memref<320000xi32, #tpu.memory_space<hbm>> -> memref<128xi32, #tpu.memory_space<hbm>>
        tpu.wait_dma2 semaphore(%run_scoped3A : memref<!tpu.dma_semaphore, #tpu.memory_space<semaphore_mem>>) src(%dma_wait3A_131 : memref<128xi32, #tpu.memory_space<hbm>>) dst(%arg6 : memref<128xi32, #tpu.memory_space<vmem>>)
        tpu.yield
      }) : () -> ()
      "tpu.region"() ({
        %run_scoped3A = tpu.sem_alloc : memref<!tpu.dma_semaphore, #tpu.memory_space<semaphore_mem>>
        %dma_start3A_128 = tpu.memref_slice %arg4[%mul3A_122] : memref<320000xi32, #tpu.memory_space<hbm>> -> memref<128xi32, #tpu.memory_space<hbm>>
        %dma_start3A_129 = tpu.memref_slice %arg4[%mul3A_122] : memref<320000xi32, #tpu.memory_space<hbm>> -> memref<128xi32, #tpu.memory_space<hbm>>
        tpu.enqueue_dma source(%dma_start3A_129 : memref<128xi32, #tpu.memory_space<hbm>>) target(%arg7 : memref<128xi32, #tpu.memory_space<vmem>>) target_semaphore(%run_scoped3A : memref<!tpu.dma_semaphore, #tpu.memory_space<semaphore_mem>>)
        %dma_wait3A_130 = tpu.memref_slice %arg4[%mul3A_122] : memref<320000xi32, #tpu.memory_space<hbm>> -> memref<128xi32, #tpu.memory_space<hbm>>
        %dma_wait3A_131 = tpu.memref_slice %arg4[%mul3A_122] : memref<320000xi32, #tpu.memory_space<hbm>> -> memref<128xi32, #tpu.memory_space<hbm>>
        tpu.wait_dma2 semaphore(%run_scoped3A : memref<!tpu.dma_semaphore, #tpu.memory_space<semaphore_mem>>) src(%dma_wait3A_131 : memref<128xi32, #tpu.memory_space<hbm>>) dst(%arg7 : memref<128xi32, #tpu.memory_space<vmem>>)
        tpu.yield
      }) : () -> ()
      %dma_start3A = arith.constant 0 : i32
      %dma_start3A_123 = arith.constant 0 : i32
      %dma_start3A_124 = tpu.memref_slice %arg2[%dma_start3A, %dma_start3A_123] : memref<10000x128xf32, #tpu.memory_space<hbm>> -> memref<10000x128xf32, #tpu.memory_space<hbm>>
      tpu.enqueue_indirect_dma source(%dma_start3A_124 : memref<10000x128xf32, #tpu.memory_space<hbm>>) target(%arg8 : memref<128x128xf32, #tpu.memory_space<vmem>>) offsets(%arg6 : memref<128xi32, #tpu.memory_space<vmem>>) semaphore(%arg11 : memref<!tpu.dma_semaphore, #tpu.memory_space<semaphore_mem>>)
      %dma_wait3A = arith.constant 0 : i32
      %dma_wait3A_125 = arith.constant 0 : i32
      %dma_wait3A_126 = tpu.memref_slice %arg2[%dma_wait3A, %dma_wait3A_125] : memref<10000x128xf32, #tpu.memory_space<hbm>> -> memref<10000x128xf32, #tpu.memory_space<hbm>>
      tpu.wait_indirect_dma semaphore(%arg11 : memref<!tpu.dma_semaphore, #tpu.memory_space<semaphore_mem>>) src(%dma_wait3A_126 : memref<10000x128xf32, #tpu.memory_space<hbm>>) dst(%arg8 : memref<128x128xf32, #tpu.memory_space<vmem>>)
      "tpu.region"() ({
        %run_scoped3A = tpu.sem_alloc : memref<!tpu.dma_semaphore, #tpu.memory_space<semaphore_mem>>
        %dma_start3A_128 = arith.constant 0 : i32
        %dma_start3A_129 = arith.constant 0 : i32
        %dma_start3A_130 = tpu.memref_slice %arg10[%dma_start3A_128, %dma_start3A_129] : memref<10240x128xf32, #tpu.memory_space<vmem_shared>> -> memref<10240x128xf32, #tpu.memory_space<vmem_shared>>
        tpu.enqueue_indirect_dma source(%arg8 : memref<128x128xf32, #tpu.memory_space<vmem>>) target(%dma_start3A_130 : memref<10240x128xf32, #tpu.memory_space<vmem_shared>>) offsets(%arg7 : memref<128xi32, #tpu.memory_space<vmem>>) semaphore(%run_scoped3A : memref<!tpu.dma_semaphore, #tpu.memory_space<semaphore_mem>>) {add = true}
        %dma_wait3A_131 = arith.constant 0 : i32
        %dma_wait3A_132 = arith.constant 0 : i32
        %dma_wait3A_133 = tpu.memref_slice %arg10[%dma_wait3A_131, %dma_wait3A_132] : memref<10240x128xf32, #tpu.memory_space<vmem_shared>> -> memref<10240x128xf32, #tpu.memory_space<vmem_shared>>
        tpu.wait_indirect_dma semaphore(%run_scoped3A : memref<!tpu.dma_semaphore, #tpu.memory_space<semaphore_mem>>) src(%arg8 : memref<128x128xf32, #tpu.memory_space<vmem>>) dst(%dma_wait3A_133 : memref<10240x128xf32, #tpu.memory_space<vmem_shared>>)
        tpu.yield
      }) : () -> ()
      %while3A_127 = arith.constant 0 : i32
      scf.yield %while3A_127 : i32
    }
    %barrier3A_60 = arith.constant 0 : index
    tpu.barrier barrier_id(%barrier3A_60)
    %mul3A_61 = arith.constant 640 : i32
    %mul3A_62 = arith.muli %arg1, %mul3A_61 : i32
    %add3A_63 = arith.constant 0 : i32
    %add3A_64 = arith.addi %mul3A_62, %add3A_63 : i32
    %mul3A_65 = arith.constant 10240 : i32
    %mul3A_66 = arith.muli %arg0, %mul3A_65 : i32
    %mul3A_67 = arith.constant 640 : i32
    %mul3A_68 = arith.muli %arg1, %mul3A_67 : i32
    %add3A_69 = arith.addi %mul3A_66, %mul3A_68 : i32
    %add3A_70 = arith.constant 0 : i32
    %add3A_71 = arith.addi %add3A_69, %add3A_70 : i32
    "tpu.region"() ({
      %run_scoped3A = tpu.sem_alloc : memref<!tpu.dma_semaphore, #tpu.memory_space<semaphore_mem>>
      %dma_start3A = arith.constant 0 : i32
      %dma_start3A_116 = tpu.memref_slice %arg5[%add3A_71, %dma_start3A] : memref<20480x128xf32, #tpu.memory_space<hbm>> -> memref<128x128xf32, #tpu.memory_space<hbm>>
      %dma_start3A_117 = arith.constant 0 : i32
      %dma_start3A_118 = tpu.memref_slice %arg10[%add3A_64, %dma_start3A_117] : memref<10240x128xf32, #tpu.memory_space<vmem_shared>> -> memref<128x128xf32, #tpu.memory_space<vmem_shared>>
      tpu.enqueue_dma source(%dma_start3A_118 : memref<128x128xf32, #tpu.memory_space<vmem_shared>>) target(%dma_start3A_116 : memref<128x128xf32, #tpu.memory_space<hbm>>) target_semaphore(%run_scoped3A : memref<!tpu.dma_semaphore, #tpu.memory_space<semaphore_mem>>)
      %dma_wait3A = arith.constant 0 : i32
      %dma_wait3A_119 = tpu.memref_slice %arg5[%add3A_71, %dma_wait3A] : memref<20480x128xf32, #tpu.memory_space<hbm>> -> memref<128x128xf32, #tpu.memory_space<hbm>>
      %dma_wait3A_120 = arith.constant 0 : i32
      %dma_wait3A_121 = tpu.memref_slice %arg10[%add3A_64, %dma_wait3A_120] : memref<10240x128xf32, #tpu.memory_space<vmem_shared>> -> memref<128x128xf32, #tpu.memory_space<vmem_shared>>
      tpu.wait_dma2 semaphore(%run_scoped3A : memref<!tpu.dma_semaphore, #tpu.memory_space<semaphore_mem>>) src(%dma_wait3A_121 : memref<128x128xf32, #tpu.memory_space<vmem_shared>>) dst(%dma_wait3A_119 : memref<128x128xf32, #tpu.memory_space<hbm>>)
      tpu.yield
    }) : () -> ()
    %mul3A_72 = arith.constant 640 : i32
    %mul3A_73 = arith.muli %arg1, %mul3A_72 : i32
    %add3A_74 = arith.constant 128 : i32
    %add3A_75 = arith.addi %mul3A_73, %add3A_74 : i32
    %mul3A_76 = arith.constant 10240 : i32
    %mul3A_77 = arith.muli %arg0, %mul3A_76 : i32
    %mul3A_78 = arith.constant 640 : i32
    %mul3A_79 = arith.muli %arg1, %mul3A_78 : i32
    %add3A_80 = arith.addi %mul3A_77, %mul3A_79 : i32
    %add3A_81 = arith.constant 128 : i32
    %add3A_82 = arith.addi %add3A_80, %add3A_81 : i32
    "tpu.region"() ({
      %run_scoped3A = tpu.sem_alloc : memref<!tpu.dma_semaphore, #tpu.memory_space<semaphore_mem>>
      %dma_start3A = arith.constant 0 : i32
      %dma_start3A_116 = tpu.memref_slice %arg5[%add3A_82, %dma_start3A] : memref<20480x128xf32, #tpu.memory_space<hbm>> -> memref<128x128xf32, #tpu.memory_space<hbm>>
      %dma_start3A_117 = arith.constant 0 : i32
      %dma_start3A_118 = tpu.memref_slice %arg10[%add3A_75, %dma_start3A_117] : memref<10240x128xf32, #tpu.memory_space<vmem_shared>> -> memref<128x128xf32, #tpu.memory_space<vmem_shared>>
      tpu.enqueue_dma source(%dma_start3A_118 : memref<128x128xf32, #tpu.memory_space<vmem_shared>>) target(%dma_start3A_116 : memref<128x128xf32, #tpu.memory_space<hbm>>) target_semaphore(%run_scoped3A : memref<!tpu.dma_semaphore, #tpu.memory_space<semaphore_mem>>)
      %dma_wait3A = arith.constant 0 : i32
      %dma_wait3A_119 = tpu.memref_slice %arg5[%add3A_82, %dma_wait3A] : memref<20480x128xf32, #tpu.memory_space<hbm>> -> memref<128x128xf32, #tpu.memory_space<hbm>>
      %dma_wait3A_120 = arith.constant 0 : i32
      %dma_wait3A_121 = tpu.memref_slice %arg10[%add3A_75, %dma_wait3A_120] : memref<10240x128xf32, #tpu.memory_space<vmem_shared>> -> memref<128x128xf32, #tpu.memory_space<vmem_shared>>
      tpu.wait_dma2 semaphore(%run_scoped3A : memref<!tpu.dma_semaphore, #tpu.memory_space<semaphore_mem>>) src(%dma_wait3A_121 : memref<128x128xf32, #tpu.memory_space<vmem_shared>>) dst(%dma_wait3A_119 : memref<128x128xf32, #tpu.memory_space<hbm>>)
      tpu.yield
    }) : () -> ()
    %mul3A_83 = arith.constant 640 : i32
    %mul3A_84 = arith.muli %arg1, %mul3A_83 : i32
    %add3A_85 = arith.constant 256 : i32
    %add3A_86 = arith.addi %mul3A_84, %add3A_85 : i32
    %mul3A_87 = arith.constant 10240 : i32
    %mul3A_88 = arith.muli %arg0, %mul3A_87 : i32
    %mul3A_89 = arith.constant 640 : i32
    %mul3A_90 = arith.muli %arg1, %mul3A_89 : i32
    %add3A_91 = arith.addi %mul3A_88, %mul3A_90 : i32
    %add3A_92 = arith.constant 256 : i32
    %add3A_93 = arith.addi %add3A_91, %add3A_92 : i32
    "tpu.region"() ({
      %run_scoped3A = tpu.sem_alloc : memref<!tpu.dma_semaphore, #tpu.memory_space<semaphore_mem>>
      %dma_start3A = arith.constant 0 : i32
      %dma_start3A_116 = tpu.memref_slice %arg5[%add3A_93, %dma_start3A] : memref<20480x128xf32, #tpu.memory_space<hbm>> -> memref<128x128xf32, #tpu.memory_space<hbm>>
      %dma_start3A_117 = arith.constant 0 : i32
      %dma_start3A_118 = tpu.memref_slice %arg10[%add3A_86, %dma_start3A_117] : memref<10240x128xf32, #tpu.memory_space<vmem_shared>> -> memref<128x128xf32, #tpu.memory_space<vmem_shared>>
      tpu.enqueue_dma source(%dma_start3A_118 : memref<128x128xf32, #tpu.memory_space<vmem_shared>>) target(%dma_start3A_116 : memref<128x128xf32, #tpu.memory_space<hbm>>) target_semaphore(%run_scoped3A : memref<!tpu.dma_semaphore, #tpu.memory_space<semaphore_mem>>)
      %dma_wait3A = arith.constant 0 : i32
      %dma_wait3A_119 = tpu.memref_slice %arg5[%add3A_93, %dma_wait3A] : memref<20480x128xf32, #tpu.memory_space<hbm>> -> memref<128x128xf32, #tpu.memory_space<hbm>>
      %dma_wait3A_120 = arith.constant 0 : i32
      %dma_wait3A_121 = tpu.memref_slice %arg10[%add3A_86, %dma_wait3A_120] : memref<10240x128xf32, #tpu.memory_space<vmem_shared>> -> memref<128x128xf32, #tpu.memory_space<vmem_shared>>
      tpu.wait_dma2 semaphore(%run_scoped3A : memref<!tpu.dma_semaphore, #tpu.memory_space<semaphore_mem>>) src(%dma_wait3A_121 : memref<128x128xf32, #tpu.memory_space<vmem_shared>>) dst(%dma_wait3A_119 : memref<128x128xf32, #tpu.memory_space<hbm>>)
      tpu.yield
    }) : () -> ()
    %mul3A_94 = arith.constant 640 : i32
    %mul3A_95 = arith.muli %arg1, %mul3A_94 : i32
    %add3A_96 = arith.constant 384 : i32
    %add3A_97 = arith.addi %mul3A_95, %add3A_96 : i32
    %mul3A_98 = arith.constant 10240 : i32
    %mul3A_99 = arith.muli %arg0, %mul3A_98 : i32
    %mul3A_100 = arith.constant 640 : i32
    %mul3A_101 = arith.muli %arg1, %mul3A_100 : i32
    %add3A_102 = arith.addi %mul3A_99, %mul3A_101 : i32
    %add3A_103 = arith.constant 384 : i32
    %add3A_104 = arith.addi %add3A_102, %add3A_103 : i32
    "tpu.region"() ({
      %run_scoped3A = tpu.sem_alloc : memref<!tpu.dma_semaphore, #tpu.memory_space<semaphore_mem>>
      %dma_start3A = arith.constant 0 : i32
      %dma_start3A_116 = tpu.memref_slice %arg5[%add3A_104, %dma_start3A] : memref<20480x128xf32, #tpu.memory_space<hbm>> -> memref<128x128xf32, #tpu.memory_space<hbm>>
      %dma_start3A_117 = arith.constant 0 : i32
      %dma_start3A_118 = tpu.memref_slice %arg10[%add3A_97, %dma_start3A_117] : memref<10240x128xf32, #tpu.memory_space<vmem_shared>> -> memref<128x128xf32, #tpu.memory_space<vmem_shared>>
      tpu.enqueue_dma source(%dma_start3A_118 : memref<128x128xf32, #tpu.memory_space<vmem_shared>>) target(%dma_start3A_116 : memref<128x128xf32, #tpu.memory_space<hbm>>) target_semaphore(%run_scoped3A : memref<!tpu.dma_semaphore, #tpu.memory_space<semaphore_mem>>)
      %dma_wait3A = arith.constant 0 : i32
      %dma_wait3A_119 = tpu.memref_slice %arg5[%add3A_104, %dma_wait3A] : memref<20480x128xf32, #tpu.memory_space<hbm>> -> memref<128x128xf32, #tpu.memory_space<hbm>>
      %dma_wait3A_120 = arith.constant 0 : i32
      %dma_wait3A_121 = tpu.memref_slice %arg10[%add3A_97, %dma_wait3A_120] : memref<10240x128xf32, #tpu.memory_space<vmem_shared>> -> memref<128x128xf32, #tpu.memory_space<vmem_shared>>
      tpu.wait_dma2 semaphore(%run_scoped3A : memref<!tpu.dma_semaphore, #tpu.memory_space<semaphore_mem>>) src(%dma_wait3A_121 : memref<128x128xf32, #tpu.memory_space<vmem_shared>>) dst(%dma_wait3A_119 : memref<128x128xf32, #tpu.memory_space<hbm>>)
      tpu.yield
    }) : () -> ()
    %mul3A_105 = arith.constant 640 : i32
    %mul3A_106 = arith.muli %arg1, %mul3A_105 : i32
    %add3A_107 = arith.constant 512 : i32
    %add3A_108 = arith.addi %mul3A_106, %add3A_107 : i32
    %mul3A_109 = arith.constant 10240 : i32
    %mul3A_110 = arith.muli %arg0, %mul3A_109 : i32
    %mul3A_111 = arith.constant 640 : i32
    %mul3A_112 = arith.muli %arg1, %mul3A_111 : i32
    %add3A_113 = arith.addi %mul3A_110, %mul3A_112 : i32
    %add3A_114 = arith.constant 512 : i32
    %add3A_115 = arith.addi %add3A_113, %add3A_114 : i32
    "tpu.region"() ({
      %run_scoped3A = tpu.sem_alloc : memref<!tpu.dma_semaphore, #tpu.memory_space<semaphore_mem>>
      %dma_start3A = arith.constant 0 : i32
      %dma_start3A_116 = tpu.memref_slice %arg5[%add3A_115, %dma_start3A] : memref<20480x128xf32, #tpu.memory_space<hbm>> -> memref<128x128xf32, #tpu.memory_space<hbm>>
      %dma_start3A_117 = arith.constant 0 : i32
      %dma_start3A_118 = tpu.memref_slice %arg10[%add3A_108, %dma_start3A_117] : memref<10240x128xf32, #tpu.memory_space<vmem_shared>> -> memref<128x128xf32, #tpu.memory_space<vmem_shared>>
      tpu.enqueue_dma source(%dma_start3A_118 : memref<128x128xf32, #tpu.memory_space<vmem_shared>>) target(%dma_start3A_116 : memref<128x128xf32, #tpu.memory_space<hbm>>) target_semaphore(%run_scoped3A : memref<!tpu.dma_semaphore, #tpu.memory_space<semaphore_mem>>)
      %dma_wait3A = arith.constant 0 : i32
      %dma_wait3A_119 = tpu.memref_slice %arg5[%add3A_115, %dma_wait3A] : memref<20480x128xf32, #tpu.memory_space<hbm>> -> memref<128x128xf32, #tpu.memory_space<hbm>>
      %dma_wait3A_120 = arith.constant 0 : i32
      %dma_wait3A_121 = tpu.memref_slice %arg10[%add3A_108, %dma_wait3A_120] : memref<10240x128xf32, #tpu.memory_space<vmem_shared>> -> memref<128x128xf32, #tpu.memory_space<vmem_shared>>
      tpu.wait_dma2 semaphore(%run_scoped3A : memref<!tpu.dma_semaphore, #tpu.memory_space<semaphore_mem>>) src(%dma_wait3A_121 : memref<128x128xf32, #tpu.memory_space<vmem_shared>>) dst(%dma_wait3A_119 : memref<128x128xf32, #tpu.memory_space<hbm>>)
      tpu.yield
    }) : () -> ()
    return
  }
}

module attributes {stable_mosaic.version = 14 : i64} {
  func.func @_tc1_body(%arg0: i32, %arg1: memref<1000x1xf32, #tpu.memory_space<vmem>>, %arg2: memref<1000x1xf32, #tpu.memory_space<vmem>>, %arg3: memref<1000x128xf32, #tpu.memory_space<vmem>>, %arg4: memref<128x128xf32, #tpu.memory_space<vmem>>, %arg5: memref<1000x128xf32, #tpu.memory_space<vmem>>, %arg6: memref<1000x1xf32, #tpu.memory_space<vmem>>) attributes {dimension_semantics = [#tpu.dimension_semantics<arbitrary>], iteration_bounds = array<i64: 10>, scalar_prefetch = 0 : i64, scratch_operands = 0 : i64, tpu.core_type = #tpu.core_type<tc>, window_params = [{transform_indices = @transform_0, window_bounds = array<i64: 1000, 1>}, {transform_indices = @transform_1, window_bounds = array<i64: 1000, 1>}, {transform_indices = @transform_2, window_bounds = array<i64: 1000, 128>}, {pipeline_mode = #tpu.pipeline_mode<synchronous>, transform_indices = @transform_3, window_bounds = array<i64: 128, 128>}, {transform_indices = @transform_4, window_bounds = array<i64: 1000, 128>}, {transform_indices = @transform_5, window_bounds = array<i64: 1000, 1>}]} {
    %get3A = arith.constant 0 : index
    %get3A_0 = arith.constant 0 : index
    %get3A_1 = vector.load %arg1[%get3A, %get3A_0] : memref<1000x1xf32, #tpu.memory_space<vmem>>, vector<1000x1xf32>
    %get3A_2 = arith.constant 0 : index
    %get3A_3 = arith.constant 0 : index
    %get3A_4 = vector.load %arg2[%get3A_2, %get3A_3] : memref<1000x1xf32, #tpu.memory_space<vmem>>, vector<1000x1xf32>
    %add3A = arith.addf %get3A_1, %get3A_4 : vector<1000x1xf32>
    %add3A_5 = arith.constant 1.000000e+00 : f32
    %add3A_6 = vector.broadcast %add3A_5 : f32 to vector<1000x1xf32>
    %add3A_7 = arith.addf %add3A, %add3A_6 : vector<1000x1xf32>
    %rsqrt3A = math.rsqrt %add3A_7 : vector<1000x1xf32>
    %get3A_8 = arith.constant 0 : index
    %get3A_9 = arith.constant 0 : index
    %get3A_10 = vector.load %arg3[%get3A_8, %get3A_9] : memref<1000x128xf32, #tpu.memory_space<vmem>>, vector<1000x128xf32>
    %get3A_11 = arith.constant 0 : index
    %get3A_12 = arith.constant 0 : index
    %get3A_13 = vector.load %arg4[%get3A_11, %get3A_12] : memref<128x128xf32, #tpu.memory_space<vmem>>, vector<128x128xf32>
    %dot_general3A = arith.constant dense<0.000000e+00> : vector<1000x128xf32>
    %dot_general3A_14 = tpu.matmul %get3A_10, %get3A_13, %dot_general3A {dimension_numbers = #tpu.dot_dimension_numbers<[1], [0], [0], [1], [0, 0, 1, 1], [], []>, transpose_lhs_hint = false} : vector<1000x128xf32>, vector<128x128xf32>, vector<1000x128xf32> -> vector<1000x128xf32>
    %mul3A = vector.broadcast %rsqrt3A : vector<1000x1xf32> to vector<1000x128xf32>
    %mul3A_15 = arith.mulf %dot_general3A_14, %mul3A : vector<1000x128xf32>
    %swap3A = arith.constant 0 : index
    %swap3A_16 = arith.constant 0 : index
    %swap3A_17 = vector.load %arg5[%swap3A, %swap3A_16] : memref<1000x128xf32, #tpu.memory_space<vmem>>, vector<1000x128xf32>
    tpu.vector_store %arg5[%swap3A, %swap3A_16], %mul3A_15 {strides = array<i32>} : memref<1000x128xf32, #tpu.memory_space<vmem>>, vector<1000x128xf32>,
    %swap3A_18 = arith.constant 0 : index
    %swap3A_19 = arith.constant 0 : index
    %swap3A_20 = vector.load %arg6[%swap3A_18, %swap3A_19] : memref<1000x1xf32, #tpu.memory_space<vmem>>, vector<1000x1xf32>
    tpu.vector_store %arg6[%swap3A_18, %swap3A_19], %rsqrt3A {strides = array<i32>} : memref<1000x1xf32, #tpu.memory_space<vmem>>, vector<1000x1xf32>,
    return
  }
  func.func @transform_0(%arg0: i32) -> (i32, i32) {
    %c0_i32 = arith.constant 0 : i32
    %c0_i32_0 = arith.constant 0 : i32
    return %arg0, %c0_i32 : i32, i32
  }
  func.func @transform_1(%arg0: i32) -> (i32, i32) {
    %c0_i32 = arith.constant 0 : i32
    %c0_i32_0 = arith.constant 0 : i32
    return %arg0, %c0_i32 : i32, i32
  }
  func.func @transform_2(%arg0: i32) -> (i32, i32) {
    %c0_i32 = arith.constant 0 : i32
    %c0_i32_0 = arith.constant 0 : i32
    return %arg0, %c0_i32 : i32, i32
  }
  func.func @transform_3(%arg0: i32) -> (i32, i32) {
    %c0_i32 = arith.constant 0 : i32
    %c0_i32_0 = arith.constant 0 : i32
    %c0_i32_1 = arith.constant 0 : i32
    return %c0_i32, %c0_i32_0 : i32, i32
  }
  func.func @transform_4(%arg0: i32) -> (i32, i32) {
    %c0_i32 = arith.constant 0 : i32
    %c0_i32_0 = arith.constant 0 : i32
    return %arg0, %c0_i32 : i32, i32
  }
  func.func @transform_5(%arg0: i32) -> (i32, i32) {
    %c0_i32 = arith.constant 0 : i32
    %c0_i32_0 = arith.constant 0 : i32
    return %arg0, %c0_i32 : i32, i32
  }
}

module attributes {stable_mosaic.version = 14 : i64} {
  func.func @_tc2_body(%arg0: i32, %arg1: memref<1000x128xf32, #tpu.memory_space<vmem>>, %arg2: memref<1000x128xf32, #tpu.memory_space<vmem>>, %arg3: memref<1000x128xf32, #tpu.memory_space<vmem>>, %arg4: memref<1000x1xf32, #tpu.memory_space<vmem>>, %arg5: memref<1x128xf32, #tpu.memory_space<vmem>>, %arg6: memref<128x128xf32, #tpu.memory_space<vmem>>, %arg7: memref<1000x128xf32, #tpu.memory_space<vmem>>) attributes {dimension_semantics = [#tpu.dimension_semantics<arbitrary>], iteration_bounds = array<i64: 10>, scalar_prefetch = 0 : i64, scratch_operands = 0 : i64, tpu.core_type = #tpu.core_type<tc>, window_params = [{transform_indices = @transform_0, window_bounds = array<i64: 1000, 128>}, {transform_indices = @transform_1, window_bounds = array<i64: 1000, 128>}, {transform_indices = @transform_2, window_bounds = array<i64: 1000, 128>}, {transform_indices = @transform_3, window_bounds = array<i64: 1000, 1>}, {pipeline_mode = #tpu.pipeline_mode<synchronous>, transform_indices = @transform_4, window_bounds = array<i64: 1, 128>}, {pipeline_mode = #tpu.pipeline_mode<synchronous>, transform_indices = @transform_5, window_bounds = array<i64: 128, 128>}, {transform_indices = @transform_6, window_bounds = array<i64: 1000, 128>}]} {
    %get3A = arith.constant 0 : index
    %get3A_0 = arith.constant 0 : index
    %get3A_1 = vector.load %arg4[%get3A, %get3A_0] : memref<1000x1xf32, #tpu.memory_space<vmem>>, vector<1000x1xf32>
    %get3A_2 = arith.constant 0 : index
    %get3A_3 = arith.constant 0 : index
    %get3A_4 = vector.load %arg1[%get3A_2, %get3A_3] : memref<1000x128xf32, #tpu.memory_space<vmem>>, vector<1000x128xf32>
    %get3A_5 = arith.constant 0 : index
    %get3A_6 = arith.constant 0 : index
    %get3A_7 = vector.load %arg2[%get3A_5, %get3A_6] : memref<1000x128xf32, #tpu.memory_space<vmem>>, vector<1000x128xf32>
    %add3A = arith.addf %get3A_4, %get3A_7 : vector<1000x128xf32>
    %get3A_8 = arith.constant 0 : index
    %get3A_9 = arith.constant 0 : index
    %get3A_10 = vector.load %arg3[%get3A_8, %get3A_9] : memref<1000x128xf32, #tpu.memory_space<vmem>>, vector<1000x128xf32>
    %add3A_11 = arith.addf %add3A, %get3A_10 : vector<1000x128xf32>
    %mul3A = vector.broadcast %get3A_1 : vector<1000x1xf32> to vector<1000x128xf32>
    %mul3A_12 = arith.mulf %add3A_11, %mul3A : vector<1000x128xf32>
    %get3A_13 = arith.constant 0 : index
    %get3A_14 = arith.constant 0 : index
    %get3A_15 = vector.load %arg5[%get3A_13, %get3A_14] : memref<1x128xf32, #tpu.memory_space<vmem>>, vector<1x128xf32>
    %add3A_16 = vector.broadcast %get3A_15 : vector<1x128xf32> to vector<1000x128xf32>
    %add3A_17 = arith.addf %mul3A_12, %add3A_16 : vector<1000x128xf32>
    %max3A = arith.constant 0.000000e+00 : f32
    %max3A_18 = vector.broadcast %max3A : f32 to vector<1000x128xf32>
    %max3A_19 = arith.maximumf %add3A_17, %max3A_18 : vector<1000x128xf32>
    %get3A_20 = arith.constant 0 : index
    %get3A_21 = arith.constant 0 : index
    %get3A_22 = vector.load %arg6[%get3A_20, %get3A_21] : memref<128x128xf32, #tpu.memory_space<vmem>>, vector<128x128xf32>
    %dot_general3A = arith.constant dense<0.000000e+00> : vector<1000x128xf32>
    %dot_general3A_23 = tpu.matmul %max3A_19, %get3A_22, %dot_general3A {dimension_numbers = #tpu.dot_dimension_numbers<[1], [0], [0], [1], [0, 0, 1, 1], [], []>, transpose_lhs_hint = false} : vector<1000x128xf32>, vector<128x128xf32>, vector<1000x128xf32> -> vector<1000x128xf32>
    %mul3A_24 = vector.broadcast %get3A_1 : vector<1000x1xf32> to vector<1000x128xf32>
    %mul3A_25 = arith.mulf %dot_general3A_23, %mul3A_24 : vector<1000x128xf32>
    %swap3A = arith.constant 0 : index
    %swap3A_26 = arith.constant 0 : index
    %swap3A_27 = vector.load %arg7[%swap3A, %swap3A_26] : memref<1000x128xf32, #tpu.memory_space<vmem>>, vector<1000x128xf32>
    tpu.vector_store %arg7[%swap3A, %swap3A_26], %mul3A_25 {strides = array<i32>} : memref<1000x128xf32, #tpu.memory_space<vmem>>, vector<1000x128xf32>,
    return
  }
  func.func @transform_0(%arg0: i32) -> (i32, i32) {
    %c0_i32 = arith.constant 0 : i32
    %c0_i32_0 = arith.constant 0 : i32
    return %arg0, %c0_i32 : i32, i32
  }
  func.func @transform_1(%arg0: i32) -> (i32, i32) {
    %c0_i32 = arith.constant 0 : i32
    %c0_i32_0 = arith.constant 0 : i32
    return %arg0, %c0_i32 : i32, i32
  }
  func.func @transform_2(%arg0: i32) -> (i32, i32) {
    %c0_i32 = arith.constant 0 : i32
    %c0_i32_0 = arith.constant 0 : i32
    return %arg0, %c0_i32 : i32, i32
  }
  func.func @transform_3(%arg0: i32) -> (i32, i32) {
    %c0_i32 = arith.constant 0 : i32
    %c0_i32_0 = arith.constant 0 : i32
    return %arg0, %c0_i32 : i32, i32
  }
  func.func @transform_4(%arg0: i32) -> (i32, i32) {
    %c0_i32 = arith.constant 0 : i32
    %c0_i32_0 = arith.constant 0 : i32
    %c0_i32_1 = arith.constant 0 : i32
    return %c0_i32, %c0_i32_0 : i32, i32
  }
  func.func @transform_5(%arg0: i32) -> (i32, i32) {
    %c0_i32 = arith.constant 0 : i32
    %c0_i32_0 = arith.constant 0 : i32
    %c0_i32_1 = arith.constant 0 : i32
    return %c0_i32, %c0_i32_0 : i32, i32
  }
  func.func @transform_6(%arg0: i32) -> (i32, i32) {
    %c0_i32 = arith.constant 0 : i32
    %c0_i32_0 = arith.constant 0 : i32
    return %arg0, %c0_i32 : i32, i32
  }
}

module attributes {stable_mosaic.version = 14 : i64} {
  func.func @_tc3a_body(%arg0: i32, %arg1: memref<1000x128xf32, #tpu.memory_space<vmem>>, %arg2: memref<1000x128xf32, #tpu.memory_space<vmem>>, %arg3: memref<1000x128xf32, #tpu.memory_space<vmem>>, %arg4: memref<1000x1xf32, #tpu.memory_space<vmem>>, %arg5: memref<1x128xf32, #tpu.memory_space<vmem>>, %arg6: memref<1000x128xf32, #tpu.memory_space<vmem>>, %arg7: memref<2x128xf32, #tpu.memory_space<vmem>>) attributes {dimension_semantics = [#tpu.dimension_semantics<arbitrary>], iteration_bounds = array<i64: 10>, scalar_prefetch = 0 : i64, scratch_operands = 0 : i64, tpu.core_type = #tpu.core_type<tc>, window_params = [{transform_indices = @transform_0, window_bounds = array<i64: 1000, 128>}, {transform_indices = @transform_1, window_bounds = array<i64: 1000, 128>}, {transform_indices = @transform_2, window_bounds = array<i64: 1000, 128>}, {transform_indices = @transform_3, window_bounds = array<i64: 1000, 1>}, {pipeline_mode = #tpu.pipeline_mode<synchronous>, transform_indices = @transform_4, window_bounds = array<i64: 1, 128>}, {transform_indices = @transform_5, window_bounds = array<i64: 1000, 128>}, {pipeline_mode = #tpu.pipeline_mode<synchronous>, transform_indices = @transform_6, window_bounds = array<i64: 2, 128>}]} {
    %get3A = arith.constant 0 : index
    %get3A_0 = arith.constant 0 : index
    %get3A_1 = vector.load %arg1[%get3A, %get3A_0] : memref<1000x128xf32, #tpu.memory_space<vmem>>, vector<1000x128xf32>
    %get3A_2 = arith.constant 0 : index
    %get3A_3 = arith.constant 0 : index
    %get3A_4 = vector.load %arg2[%get3A_2, %get3A_3] : memref<1000x128xf32, #tpu.memory_space<vmem>>, vector<1000x128xf32>
    %add3A = arith.addf %get3A_1, %get3A_4 : vector<1000x128xf32>
    %get3A_5 = arith.constant 0 : index
    %get3A_6 = arith.constant 0 : index
    %get3A_7 = vector.load %arg3[%get3A_5, %get3A_6] : memref<1000x128xf32, #tpu.memory_space<vmem>>, vector<1000x128xf32>
    %add3A_8 = arith.addf %add3A, %get3A_7 : vector<1000x128xf32>
    %get3A_9 = arith.constant 0 : index
    %get3A_10 = arith.constant 0 : index
    %get3A_11 = vector.load %arg4[%get3A_9, %get3A_10] : memref<1000x1xf32, #tpu.memory_space<vmem>>, vector<1000x1xf32>
    %mul3A = vector.broadcast %get3A_11 : vector<1000x1xf32> to vector<1000x128xf32>
    %mul3A_12 = arith.mulf %add3A_8, %mul3A : vector<1000x128xf32>
    %get3A_13 = arith.constant 0 : index
    %get3A_14 = arith.constant 0 : index
    %get3A_15 = vector.load %arg5[%get3A_13, %get3A_14] : memref<1x128xf32, #tpu.memory_space<vmem>>, vector<1x128xf32>
    %add3A_16 = vector.broadcast %get3A_15 : vector<1x128xf32> to vector<1000x128xf32>
    %add3A_17 = arith.addf %mul3A_12, %add3A_16 : vector<1000x128xf32>
    %max3A = arith.constant 0.000000e+00 : f32
    %max3A_18 = vector.broadcast %max3A : f32 to vector<1000x128xf32>
    %max3A_19 = arith.maximumf %add3A_17, %max3A_18 : vector<1000x128xf32>
    %swap3A = arith.constant 0 : index
    %swap3A_20 = arith.constant 0 : index
    %swap3A_21 = vector.load %arg6[%swap3A, %swap3A_20] : memref<1000x128xf32, #tpu.memory_space<vmem>>, vector<1000x128xf32>
    tpu.vector_store %arg6[%swap3A, %swap3A_20], %max3A_19 {strides = array<i32>} : memref<1000x128xf32, #tpu.memory_space<vmem>>, vector<1000x128xf32>,
    %reduce_sum3A = arith.constant dense<0.000000e+00> : vector<128xf32>
    %reduce_sum3A_22 = vector.multi_reduction <add>, %max3A_19, %reduce_sum3A [0] : vector<1000x128xf32> to vector<128xf32>
    %broadcast_in_dim3A = vector.shape_cast %reduce_sum3A_22 : vector<128xf32> to vector<1x128xf32>
    %mul3A_23 = arith.mulf %max3A_19, %max3A_19 : vector<1000x128xf32>
    %reduce_sum3A_24 = arith.constant dense<0.000000e+00> : vector<128xf32>
    %reduce_sum3A_25 = vector.multi_reduction <add>, %mul3A_23, %reduce_sum3A_24 [0] : vector<1000x128xf32> to vector<128xf32>
    %broadcast_in_dim3A_26 = vector.shape_cast %reduce_sum3A_25 : vector<128xf32> to vector<1x128xf32>
    %concatenate3A = tpu.concatenate %broadcast_in_dim3A, %broadcast_in_dim3A_26 in 0 : vector<1x128xf32>, vector<1x128xf32> -> vector<2x128xf32>
    %eq3A = arith.constant 0 : i32
    %eq3A_27 = arith.cmpi eq, %arg0, %eq3A : i32
    %convert_element_type3A = arith.extui %eq3A_27 : i1 to i32
    %cond3A = arith.constant 0 : i32
    %cond3A_28 = arith.cmpi ne, %convert_element_type3A, %cond3A : i32
    scf.if %cond3A_28 {
      %swap3A_33 = arith.constant 0 : index
      %swap3A_34 = arith.constant 0 : index
      %swap3A_35 = vector.load %arg7[%swap3A_33, %swap3A_34] : memref<2x128xf32, #tpu.memory_space<vmem>>, vector<2x128xf32>
      tpu.vector_store %arg7[%swap3A_33, %swap3A_34], %concatenate3A {strides = array<i32>} : memref<2x128xf32, #tpu.memory_space<vmem>>, vector<2x128xf32>,
    } else {
    }
    %gt3A = arith.constant 0 : i32
    %gt3A_29 = arith.cmpi sgt, %arg0, %gt3A : i32
    %convert_element_type3A_30 = arith.extui %gt3A_29 : i1 to i32
    %cond3A_31 = arith.constant 0 : i32
    %cond3A_32 = arith.cmpi ne, %convert_element_type3A_30, %cond3A_31 : i32
    scf.if %cond3A_32 {
      %get3A_33 = arith.constant 0 : index
      %get3A_34 = arith.constant 0 : index
      %get3A_35 = vector.load %arg7[%get3A_33, %get3A_34] : memref<2x128xf32, #tpu.memory_space<vmem>>, vector<2x128xf32>
      %add3A_36 = arith.addf %get3A_35, %concatenate3A : vector<2x128xf32>
      %swap3A_37 = arith.constant 0 : index
      %swap3A_38 = arith.constant 0 : index
      %swap3A_39 = vector.load %arg7[%swap3A_37, %swap3A_38] : memref<2x128xf32, #tpu.memory_space<vmem>>, vector<2x128xf32>
      tpu.vector_store %arg7[%swap3A_37, %swap3A_38], %add3A_36 {strides = array<i32>} : memref<2x128xf32, #tpu.memory_space<vmem>>, vector<2x128xf32>,
    } else {
    }
    return
  }
  func.func @transform_0(%arg0: i32) -> (i32, i32) {
    %c0_i32 = arith.constant 0 : i32
    %c0_i32_0 = arith.constant 0 : i32
    return %arg0, %c0_i32 : i32, i32
  }
  func.func @transform_1(%arg0: i32) -> (i32, i32) {
    %c0_i32 = arith.constant 0 : i32
    %c0_i32_0 = arith.constant 0 : i32
    return %arg0, %c0_i32 : i32, i32
  }
  func.func @transform_2(%arg0: i32) -> (i32, i32) {
    %c0_i32 = arith.constant 0 : i32
    %c0_i32_0 = arith.constant 0 : i32
    return %arg0, %c0_i32 : i32, i32
  }
  func.func @transform_3(%arg0: i32) -> (i32, i32) {
    %c0_i32 = arith.constant 0 : i32
    %c0_i32_0 = arith.constant 0 : i32
    return %arg0, %c0_i32 : i32, i32
  }
  func.func @transform_4(%arg0: i32) -> (i32, i32) {
    %c0_i32 = arith.constant 0 : i32
    %c0_i32_0 = arith.constant 0 : i32
    %c0_i32_1 = arith.constant 0 : i32
    return %c0_i32, %c0_i32_0 : i32, i32
  }
  func.func @transform_5(%arg0: i32) -> (i32, i32) {
    %c0_i32 = arith.constant 0 : i32
    %c0_i32_0 = arith.constant 0 : i32
    return %arg0, %c0_i32 : i32, i32
  }
  func.func @transform_6(%arg0: i32) -> (i32, i32) {
    %c0_i32 = arith.constant 0 : i32
    %c0_i32_0 = arith.constant 0 : i32
    %c0_i32_1 = arith.constant 0 : i32
    return %c0_i32, %c0_i32_0 : i32, i32
  }
}

module attributes {stable_mosaic.version = 14 : i64} {
  func.func @_tc3b_body(%arg0: i32, %arg1: memref<1000x128xf32, #tpu.memory_space<vmem>>, %arg2: memref<1000x1xi32, #tpu.memory_space<vmem>>, %arg3: memref<2x128xf32, #tpu.memory_space<vmem>>, %arg4: memref<1x128xf32, #tpu.memory_space<vmem>>, %arg5: memref<1x128xf32, #tpu.memory_space<vmem>>, %arg6: memref<128x10xf32, #tpu.memory_space<vmem>>, %arg7: memref<1x10xf32, #tpu.memory_space<vmem>>, %arg8: memref<64x10xf32, #tpu.memory_space<vmem>>, %arg9: memref<64x128xf32, #tpu.memory_space<vmem>>, %arg10: memref<64x128xf32, #tpu.memory_space<vmem>>) attributes {dimension_semantics = [#tpu.dimension_semantics<arbitrary>], iteration_bounds = array<i64: 10>, scalar_prefetch = 0 : i64, scratch_operands = 2 : i64, tpu.core_type = #tpu.core_type<tc>, window_params = [{transform_indices = @transform_0, window_bounds = array<i64: 1000, 128>}, {transform_indices = @transform_1, window_bounds = array<i64: 1000, 1>}, {pipeline_mode = #tpu.pipeline_mode<synchronous>, transform_indices = @transform_2, window_bounds = array<i64: 2, 128>}, {pipeline_mode = #tpu.pipeline_mode<synchronous>, transform_indices = @transform_3, window_bounds = array<i64: 1, 128>}, {pipeline_mode = #tpu.pipeline_mode<synchronous>, transform_indices = @transform_4, window_bounds = array<i64: 1, 128>}, {pipeline_mode = #tpu.pipeline_mode<synchronous>, transform_indices = @transform_5, window_bounds = array<i64: 128, 10>}, {pipeline_mode = #tpu.pipeline_mode<synchronous>, transform_indices = @transform_6, window_bounds = array<i64: 1, 10>}, {pipeline_mode = #tpu.pipeline_mode<synchronous>, transform_indices = @transform_7, window_bounds = array<i64: 64, 10>}]} {
    %get3A = arith.constant 0 : index
    %get3A_0 = arith.constant 0 : index
    %get3A_1 = vector.load %arg3[%get3A, %get3A_0] : memref<2x128xf32, #tpu.memory_space<vmem>>, vector<1x128xf32>
    %mul3A = arith.constant 9.99999974E-5 : f32
    %mul3A_2 = vector.broadcast %mul3A : f32 to vector<1x128xf32>
    %mul3A_3 = arith.mulf %get3A_1, %mul3A_2 : vector<1x128xf32>
    %get3A_4 = arith.constant 1 : index
    %get3A_5 = arith.constant 0 : index
    %get3A_6 = vector.load %arg3[%get3A_4, %get3A_5] : memref<2x128xf32, #tpu.memory_space<vmem>>, vector<1x128xf32>
    %mul3A_7 = arith.constant 9.99999974E-5 : f32
    %mul3A_8 = vector.broadcast %mul3A_7 : f32 to vector<1x128xf32>
    %mul3A_9 = arith.mulf %get3A_6, %mul3A_8 : vector<1x128xf32>
    %mul3A_10 = arith.mulf %mul3A_3, %mul3A_3 : vector<1x128xf32>
    %sub3A = arith.subf %mul3A_9, %mul3A_10 : vector<1x128xf32>
    %get3A_11 = arith.constant 0 : index
    %get3A_12 = arith.constant 0 : index
    %get3A_13 = vector.load %arg1[%get3A_11, %get3A_12] : memref<1000x128xf32, #tpu.memory_space<vmem>>, vector<1000x128xf32>
    %sub3A_14 = vector.broadcast %mul3A_3 : vector<1x128xf32> to vector<1000x128xf32>
    %sub3A_15 = arith.subf %get3A_13, %sub3A_14 : vector<1000x128xf32>
    %add3A = arith.constant 9.99999974E-6 : f32
    %add3A_16 = vector.broadcast %add3A : f32 to vector<1x128xf32>
    %add3A_17 = arith.addf %sub3A, %add3A_16 : vector<1x128xf32>
    %rsqrt3A = math.rsqrt %add3A_17 : vector<1x128xf32>
    %mul3A_18 = vector.broadcast %rsqrt3A : vector<1x128xf32> to vector<1000x128xf32>
    %mul3A_19 = arith.mulf %sub3A_15, %mul3A_18 : vector<1000x128xf32>
    %get3A_20 = arith.constant 0 : index
    %get3A_21 = arith.constant 0 : index
    %get3A_22 = vector.load %arg4[%get3A_20, %get3A_21] : memref<1x128xf32, #tpu.memory_space<vmem>>, vector<1x128xf32>
    %mul3A_23 = vector.broadcast %get3A_22 : vector<1x128xf32> to vector<1000x128xf32>
    %mul3A_24 = arith.mulf %mul3A_19, %mul3A_23 : vector<1000x128xf32>
    %get3A_25 = arith.constant 0 : index
    %get3A_26 = arith.constant 0 : index
    %get3A_27 = vector.load %arg5[%get3A_25, %get3A_26] : memref<1x128xf32, #tpu.memory_space<vmem>>, vector<1x128xf32>
    %add3A_28 = vector.broadcast %get3A_27 : vector<1x128xf32> to vector<1000x128xf32>
    %add3A_29 = arith.addf %mul3A_24, %add3A_28 : vector<1000x128xf32>
    %max3A = arith.constant 0.000000e+00 : f32
    %max3A_30 = vector.broadcast %max3A : f32 to vector<1000x128xf32>
    %max3A_31 = arith.maximumf %add3A_29, %max3A_30 : vector<1000x128xf32>
    %get3A_32 = arith.constant 0 : index
    %get3A_33 = arith.constant 0 : index
    %get3A_34 = vector.load %arg2[%get3A_32, %get3A_33] : memref<1000x1xi32, #tpu.memory_space<vmem>>, vector<1000x1xi32>
    %iota3A = tpu.iota {dimensions = array<i32: 1>} : vector<1000x64xi32>
    %eq3A = vector.broadcast %get3A_34 : vector<1000x1xi32> to vector<1000x64xi32>
    %eq3A_35 = arith.cmpi eq, %eq3A, %iota3A : vector<1000x64xi32>
    %convert_element_type3A = arith.extui %eq3A_35 : vector<1000x64xi1> to vector<1000x64xi32>
    %convert_element_type3A_36 = arith.sitofp %convert_element_type3A : vector<1000x64xi32> to vector<1000x64xf32>
    %dot_general3A = arith.constant dense<0.000000e+00> : vector<64x128xf32>
    %dot_general3A_37 = tpu.matmul %convert_element_type3A_36, %max3A_31, %dot_general3A {dimension_numbers = #tpu.dot_dimension_numbers<[0], [0], [1], [1], [0, 1, 1, 1], [], []>, transpose_lhs_hint = false} : vector<1000x64xf32>, vector<1000x128xf32>, vector<64x128xf32> -> vector<64x128xf32>
    %broadcast_in_dim3A = arith.constant 1.000000e+00 : f32
    %broadcast_in_dim3A_38 = vector.broadcast %broadcast_in_dim3A : f32 to vector<1000x128xf32>
    %dot_general3A_39 = arith.constant dense<0.000000e+00> : vector<64x128xf32>
    %dot_general3A_40 = tpu.matmul %convert_element_type3A_36, %broadcast_in_dim3A_38, %dot_general3A_39 {dimension_numbers = #tpu.dot_dimension_numbers<[0], [0], [1], [1], [0, 1, 1, 1], [], []>, transpose_lhs_hint = false} : vector<1000x64xf32>, vector<1000x128xf32>, vector<64x128xf32> -> vector<64x128xf32>
    %eq3A_41 = arith.constant 0 : i32
    %eq3A_42 = arith.cmpi eq, %arg0, %eq3A_41 : i32
    %convert_element_type3A_43 = arith.extui %eq3A_42 : i1 to i32
    %cond3A = arith.constant 0 : i32
    %cond3A_44 = arith.cmpi ne, %convert_element_type3A_43, %cond3A : i32
    scf.if %cond3A_44 {
      %swap3A = arith.constant 0 : index
      %swap3A_54 = arith.constant 0 : index
      %swap3A_55 = vector.load %arg9[%swap3A, %swap3A_54] : memref<64x128xf32, #tpu.memory_space<vmem>>, vector<64x128xf32>
      tpu.vector_store %arg9[%swap3A, %swap3A_54], %dot_general3A_37 {strides = array<i32>} : memref<64x128xf32, #tpu.memory_space<vmem>>, vector<64x128xf32>,
      %swap3A_56 = arith.constant 0 : index
      %swap3A_57 = arith.constant 0 : index
      %swap3A_58 = vector.load %arg10[%swap3A_56, %swap3A_57] : memref<64x128xf32, #tpu.memory_space<vmem>>, vector<64x128xf32>
      tpu.vector_store %arg10[%swap3A_56, %swap3A_57], %dot_general3A_40 {strides = array<i32>} : memref<64x128xf32, #tpu.memory_space<vmem>>, vector<64x128xf32>,
    } else {
    }
    %gt3A = arith.constant 0 : i32
    %gt3A_45 = arith.cmpi sgt, %arg0, %gt3A : i32
    %convert_element_type3A_46 = arith.extui %gt3A_45 : i1 to i32
    %cond3A_47 = arith.constant 0 : i32
    %cond3A_48 = arith.cmpi ne, %convert_element_type3A_46, %cond3A_47 : i32
    scf.if %cond3A_48 {
      %get3A_54 = arith.constant 0 : index
      %get3A_55 = arith.constant 0 : index
      %get3A_56 = vector.load %arg9[%get3A_54, %get3A_55] : memref<64x128xf32, #tpu.memory_space<vmem>>, vector<64x128xf32>
      %add3A_57 = arith.addf %get3A_56, %dot_general3A_37 : vector<64x128xf32>
      %swap3A = arith.constant 0 : index
      %swap3A_58 = arith.constant 0 : index
      %swap3A_59 = vector.load %arg9[%swap3A, %swap3A_58] : memref<64x128xf32, #tpu.memory_space<vmem>>, vector<64x128xf32>
      tpu.vector_store %arg9[%swap3A, %swap3A_58], %add3A_57 {strides = array<i32>} : memref<64x128xf32, #tpu.memory_space<vmem>>, vector<64x128xf32>,
      %get3A_60 = arith.constant 0 : index
      %get3A_61 = arith.constant 0 : index
      %get3A_62 = vector.load %arg10[%get3A_60, %get3A_61] : memref<64x128xf32, #tpu.memory_space<vmem>>, vector<64x128xf32>
      %add3A_63 = arith.addf %get3A_62, %dot_general3A_40 : vector<64x128xf32>
      %swap3A_64 = arith.constant 0 : index
      %swap3A_65 = arith.constant 0 : index
      %swap3A_66 = vector.load %arg10[%swap3A_64, %swap3A_65] : memref<64x128xf32, #tpu.memory_space<vmem>>, vector<64x128xf32>
      tpu.vector_store %arg10[%swap3A_64, %swap3A_65], %add3A_63 {strides = array<i32>} : memref<64x128xf32, #tpu.memory_space<vmem>>, vector<64x128xf32>,
    } else {
    }
    %eq3A_49 = arith.constant 9 : i32
    %eq3A_50 = arith.cmpi eq, %arg0, %eq3A_49 : i32
    %convert_element_type3A_51 = arith.extui %eq3A_50 : i1 to i32
    %cond3A_52 = arith.constant 0 : i32
    %cond3A_53 = arith.cmpi ne, %convert_element_type3A_51, %cond3A_52 : i32
    scf.if %cond3A_53 {
      %get3A_54 = arith.constant 0 : index
      %get3A_55 = arith.constant 0 : index
      %get3A_56 = vector.load %arg9[%get3A_54, %get3A_55] : memref<64x128xf32, #tpu.memory_space<vmem>>, vector<64x128xf32>
      %get3A_57 = arith.constant 0 : index
      %get3A_58 = arith.constant 0 : index
      %get3A_59 = vector.load %arg10[%get3A_57, %get3A_58] : memref<64x128xf32, #tpu.memory_space<vmem>>, vector<64x128xf32>
      %max3A_60 = arith.constant 1.000000e+00 : f32
      %max3A_61 = vector.broadcast %max3A_60 : f32 to vector<64x128xf32>
      %max3A_62 = arith.maximumf %get3A_59, %max3A_61 : vector<64x128xf32>
      %div3A = arith.divf %get3A_56, %max3A_62 : vector<64x128xf32>
      %get3A_63 = arith.constant 0 : index
      %get3A_64 = arith.constant 0 : index
      %get3A_65 = vector.load %arg6[%get3A_63, %get3A_64] : memref<128x10xf32, #tpu.memory_space<vmem>>, vector<128x10xf32>
      %dot_general3A_66 = arith.constant dense<0.000000e+00> : vector<64x10xf32>
      %dot_general3A_67 = tpu.matmul %div3A, %get3A_65, %dot_general3A_66 {dimension_numbers = #tpu.dot_dimension_numbers<[1], [0], [0], [1], [0, 0, 1, 1], [], []>, transpose_lhs_hint = false} : vector<64x128xf32>, vector<128x10xf32>, vector<64x10xf32> -> vector<64x10xf32>
      %get3A_68 = arith.constant 0 : index
      %get3A_69 = arith.constant 0 : index
      %get3A_70 = vector.load %arg7[%get3A_68, %get3A_69] : memref<1x10xf32, #tpu.memory_space<vmem>>, vector<1x10xf32>
      %add3A_71 = vector.broadcast %get3A_70 : vector<1x10xf32> to vector<64x10xf32>
      %add3A_72 = arith.addf %dot_general3A_67, %add3A_71 : vector<64x10xf32>
      %reduce_max3A = arith.constant dense<0xFF800000> : vector<64xf32>
      %reduce_max3A_73 = vector.multi_reduction <maximumf>, %add3A_72, %reduce_max3A [1] : vector<64x10xf32> to vector<64xf32>
      %broadcast_in_dim3A_74 = vector.shape_cast %reduce_max3A_73 : vector<64xf32> to vector<64x1xf32>
      %sub3A_75 = vector.broadcast %broadcast_in_dim3A_74 : vector<64x1xf32> to vector<64x10xf32>
      %sub3A_76 = arith.subf %add3A_72, %sub3A_75 : vector<64x10xf32>
      %exp3A = math.exp %sub3A_76 : vector<64x10xf32>
      %reduce_sum3A = arith.constant dense<0.000000e+00> : vector<64xf32>
      %reduce_sum3A_77 = vector.multi_reduction <add>, %exp3A, %reduce_sum3A [1] : vector<64x10xf32> to vector<64xf32>
      %broadcast_in_dim3A_78 = vector.shape_cast %reduce_sum3A_77 : vector<64xf32> to vector<64x1xf32>
      %log3A = math.log %broadcast_in_dim3A_78 : vector<64x1xf32>
      %add3A_79 = arith.addf %log3A, %broadcast_in_dim3A_74 : vector<64x1xf32>
      %sub3A_80 = vector.broadcast %add3A_79 : vector<64x1xf32> to vector<64x10xf32>
      %sub3A_81 = arith.subf %add3A_72, %sub3A_80 : vector<64x10xf32>
      %swap3A = arith.constant 0 : index
      %swap3A_82 = arith.constant 0 : index
      %swap3A_83 = vector.load %arg8[%swap3A, %swap3A_82] : memref<64x10xf32, #tpu.memory_space<vmem>>, vector<64x10xf32>
      tpu.vector_store %arg8[%swap3A, %swap3A_82], %sub3A_81 {strides = array<i32>} : memref<64x10xf32, #tpu.memory_space<vmem>>, vector<64x10xf32>,
    } else {
    }
    return
  }
  func.func @transform_0(%arg0: i32) -> (i32, i32) {
    %c0_i32 = arith.constant 0 : i32
    %c0_i32_0 = arith.constant 0 : i32
    return %arg0, %c0_i32 : i32, i32
  }
  func.func @transform_1(%arg0: i32) -> (i32, i32) {
    %c0_i32 = arith.constant 0 : i32
    %c0_i32_0 = arith.constant 0 : i32
    return %arg0, %c0_i32 : i32, i32
  }
  func.func @transform_2(%arg0: i32) -> (i32, i32) {
    %c0_i32 = arith.constant 0 : i32
    %c0_i32_0 = arith.constant 0 : i32
    %c0_i32_1 = arith.constant 0 : i32
    return %c0_i32, %c0_i32_0 : i32, i32
  }
  func.func @transform_3(%arg0: i32) -> (i32, i32) {
    %c0_i32 = arith.constant 0 : i32
    %c0_i32_0 = arith.constant 0 : i32
    %c0_i32_1 = arith.constant 0 : i32
    return %c0_i32, %c0_i32_0 : i32, i32
  }
  func.func @transform_4(%arg0: i32) -> (i32, i32) {
    %c0_i32 = arith.constant 0 : i32
    %c0_i32_0 = arith.constant 0 : i32
    %c0_i32_1 = arith.constant 0 : i32
    return %c0_i32, %c0_i32_0 : i32, i32
  }
  func.func @transform_5(%arg0: i32) -> (i32, i32) {
    %c0_i32 = arith.constant 0 : i32
    %c0_i32_0 = arith.constant 0 : i32
    %c0_i32_1 = arith.constant 0 : i32
    return %c0_i32, %c0_i32_0 : i32, i32
  }
  func.func @transform_6(%arg0: i32) -> (i32, i32) {
    %c0_i32 = arith.constant 0 : i32
    %c0_i32_0 = arith.constant 0 : i32
    %c0_i32_1 = arith.constant 0 : i32
    return %c0_i32, %c0_i32_0 : i32, i32
  }
  func.func @transform_7(%arg0: i32) -> (i32, i32) {
    %c0_i32 = arith.constant 0 : i32
    %c0_i32_0 = arith.constant 0 : i32
    %c0_i32_1 = arith.constant 0 : i32
    return %c0_i32, %c0_i32_0 : i32, i32
  }
}

</mosaic_0001>

<sc_bundles>
// kernel: kernel.12.cloned.1.call-start
scs
__scs_entry_jumppad:
0x0: {  	(pc) =	sbr.rel $0x88, $3  }
0x1: {  	(tag) =	ssettag $0x0;
	lr =	simm.s32 $0x1  }
0x2: {  	[smem:$0x3F96] =	sst lr;
	_ =	strace $0xD0000000  }
0x3: {  	_ = 	snop  }
0x4: {  	_ = 	snop  }
0x5: {  	_ = 	snop  }
0x6: {  	_ = 	snop  }
0x7: {  	_ = 	snop  }
__scs_overlays_trampoline_lowered:
0x8: {  	[smem:$0x3FA5] =	sst s0  }
0x9: {  	[smem:$0x3FA6] =	sst s1  }
0xa: {  	[smem:$0x3FA7] =	sst s2  }
0xb: {  	[smem:$0x3FA8] =	sst s3  }
0xc: {  	[smem:$0x3FA9] =	sst s4  }
0xd: {  	[smem:$0x3FAA] =	sst s5  }
0xe: {  	[smem:$0x3FAB] =	sst s6  }
0xf: {  	[smem:$0x3FAC] =	sst s7  }
0x10: {  	[smem:$0x3FAD] =	sst s8  }
0x11: {  	[smem:$0x3FAE] =	sst s9;
	s0 =	simm.s32 @!p0 $0x0  }
0x12: {  	s1 =	sld [smem:$0x3F94];
	s0 =	simm.s32 @p0 $0x1  }
0x13: {  	[smem:$0x3FAF] =	sst s0;
	s0 =	simm.s32 @!p1 $0x0  }
0x14: {  	s2 =	sld [smem:$0x3F93];
	s0 =	simm.s32 @p1 $0x1  }
0x15: {  	[smem:$0x3FB0] =	sst s0;
	s0 =	simm.s32 @!p2 $0x0  }
0x16: {  	s3 =	sld [smem:$0x3FDB];
	s0 =	simm.s32 @p2 $0x1  }
0x17: {  	s4 =	simm.s32 $0x1BF5;
	[smem:$0x3FB2] =	sst s0  }
0x18: {  	s0 =	sld [smem:$0x3F95];
	_ =	swait.ge [sflag:s4], $0x0  }
0x19: {  	s7 =	sld [smem:$0x3F96]  }
0x1a: {  	s8 =	sadd.s32 $0xFFFFE003, lr  }
0x1b: {  	s9 =	sadd.s32 $0xFFFFFEF7, lr;
	s5 =	simm.s32 $0xFFFFFFFF;
	p2 =	slt.u32 s8, $0xFFFFF086  }
0x1c: {  	p1 =	slt.u32 s9, $0xF7A;
	s5 =	simm.s32 @!p2 $0x0  }
0x1d: {  	s5 =	simm.s32 @p1 $0x1;
	p0 =	seq.s32 s7, s2  }
0x1e: {  	s7 =	smul.u32 @!p0 $0xF7A, s2;
	p2 =	seq.s32 @!p0 s5, $0x0  }
0x1f: {  	s9 =	smul.u32 $0xF7A, s1;
	s8 =	simm.s32 @!p0 $0x1BF5;
	p2 =	por !p2, p0  }
0x20: {  	[sflag:s8] =	ssyncset.s32 @!p0 $0xFFFFF086;
	s6 =	sadd.s32 @!p0 s3, s7;
	s7 =	simm.s32 @!p0 $0x108  }
0x21: {  	s3 =	sadd.s32 s3, s9;
	s6 =	sadd.s32 @!p0 $0x88, s6;
	s7 =	simm.s32 @p2 $0x1082  }
0x22: {  	[simem:s7], [sflag:s8] =	dma.local @!p0 [hbm:s6], $0xF7A  }
0x23: {  	s9 =	sor.u32 $0xD0000000, s2;
	s6 =	simm.s32 $0x108;
	_ =	swait.ge @!p0 [sflag:s8], $0x0  }
0x24: {  	s3 =	sadd.s32 $0x88, s3;
	s6 =	simm.s32 @!p1 $0x1082;
	[sflag:s4] =	ssyncset.s32 $0xFFFFF086  }
0x25: {  	[simem:s6], [sflag:s4] =	dma.local [hbm:s3], $0xF7A  }
0x26: {  	[smem:$0x3F96] =	sst s1;
	(tag) =	ssettag s2;
	_ =	strace s9  }
0x27: {  	s1 =	sld [smem:$0x3FA6]  }
0x28: {  	s2 =	sld [smem:$0x3FA7]  }
0x29: {  	s4 =	sld [smem:$0x3FA9]  }
0x2a: {  	p0 =	seq.s32 s5, $0x0;
	s5 =	sld [smem:$0x3FAA]  }
0x2b: {  	s6 =	sld [smem:$0x3FAB]  }
0x2c: {  	s7 =	sld [smem:$0x3FAC]  }
0x2d: {  	s3 =	simm.s32 $0x108;
	s8 =	sld [smem:$0x3FAD]  }
0x2e: {  	s3 =	simm.s32 @!p0 $0x1082;
	s9 =	sld [smem:$0x3FAE]  }
0x2f: {  	lr =	sadd.s32 s0, s3;
	s0 =	sld [smem:$0x3FA5]  }
0x30: {  	s3 =	sld [smem:$0x3FA8]  }
0x31: {  	[smem:$0x3FB1] =	sst s10  }
0x32: {  	s10 =	sld [smem:$0x3FAF];
	_ =	sdelay $0x3  }
0x33: {  	p0 =	seq.s32 s10, $0x1;
	s10 =	sld [smem:$0x3FB1];
	_ =	sdelay $0x3  }
0x34: {  	[smem:$0x3FB1] =	sst s10  }
0x35: {  	s10 =	sld [smem:$0x3FB0];
	_ =	sdelay $0x3  }
0x36: {  	p1 =	seq.s32 s10, $0x1;
	s10 =	sld [smem:$0x3FB1];
	_ =	sdelay $0x3  }
0x37: {  	[smem:$0x3FB1] =	sst s10  }
0x38: {  	s10 =	sld [smem:$0x3FB2]  }
0x39: {  	_ = 	snop;
	(pc) =	sbr.ind lr, $3  }
0x3a: {  	_ = 	snop  }
0x3b: {  	_ = 	snop  }
0x3c: {  	p2 =	seq.s32 s10, $0x1;
	s10 =	sld [smem:$0x3FB1]  }
0x3d: {  	_ =	shalt  }
0x3e: {  	_ =	shalt  }
0x3f: {  	_ =	shalt  }
0x40: {  	_ =	shalt  }
0x41: {  	_ =	shalt  }
0x42: {  	_ =	shalt  }
0x43: {  	_ =	shalt  }
0x44: {  	_ =	shalt  }
0x45: {  	_ =	shalt  }
0x46: {  	_ =	shalt  }
0x47: {  	_ =	shalt  }
0x48: {  	_ =	shalt  }
0x49: {  	_ =	shalt  }
0x4a: {  	_ =	shalt  }
0x4b: {  	_ =	shalt  }
0x4c: {  	_ =	shalt  }
0x4d: {  	_ =	shalt  }
0x4e: {  	_ =	shalt  }
0x4f: {  	_ =	shalt  }
0x50: {  	_ =	shalt  }
0x51: {  	_ =	shalt  }
0x52: {  	_ =	shalt  }
0x53: {  	_ =	shalt  }
0x54: {  	_ =	shalt  }
0x55: {  	_ =	shalt  }
0x56: {  	_ =	shalt  }
0x57: {  	_ =	shalt  }
0x58: {  	_ =	shalt  }
0x59: {  	_ =	shalt  }
0x5a: {  	_ =	shalt  }
0x5b: {  	_ =	shalt  }
0x5c: {  	_ =	shalt  }
0x5d: {  	_ =	shalt  }
0x5e: {  	_ =	shalt  }
0x5f: {  	_ =	shalt  }
0x60: {  	_ =	shalt  }
0x61: {  	_ =	shalt  }
0x62: {  	_ =	shalt  }
0x63: {  	_ =	shalt  }
0x64: {  	_ =	shalt  }
0x65: {  	_ =	shalt  }
0x66: {  	_ =	shalt  }
0x67: {  	_ =	shalt  }
0x68: {  	_ =	shalt  }
0x69: {  	_ =	shalt  }
0x6a: {  	_ =	shalt  }
0x6b: {  	_ =	shalt  }
0x6c: {  	_ =	shalt  }
0x6d: {  	_ =	shalt  }
0x6e: {  	_ =	shalt  }
0x6f: {  	_ =	shalt  }
0x70: {  	_ =	shalt  }
0x71: {  	_ =	shalt  }
0x72: {  	_ =	shalt  }
0x73: {  	_ =	shalt  }
0x74: {  	_ =	shalt  }
0x75: {  	_ =	shalt  }
0x76: {  	_ =	shalt  }
0x77: {  	_ =	shalt  }
0x78: {  	_ =	shalt  }
0x79: {  	_ =	shalt  }
0x7a: {  	_ =	shalt  }
0x7b: {  	_ =	shalt  }
0x7c: {  	_ =	shalt  }
0x7d: {  	_ =	shalt  }
0x7e: {  	_ =	shalt  }
0x7f: {  	_ =	shalt  }
0x80: {  	_ =	shalt  }
0x81: {  	_ =	shalt  }
0x82: {  	_ =	shalt  }
0x83: {  	_ =	shalt  }
0x84: {  	_ =	shalt  }
0x85: {  	_ =	shalt  }
0x86: {  	_ =	shalt  }
0x87: {  	_ =	shalt  }
.Lfunc_end0:
.L_simem_size_0:
called_computation.1_lowered:
.L_overlay_start_0:
0x88: {  	s2 =	sld [smem:$0x3FD9]  }
0x89: {  	s3 =	sld [smem:$0x3FFE];
	_ =	sdelay $0x1  }
0x8a: {  	s1 =	srdreg.scid  }
0x8b: {  	s0 =	sand.u32 $0x1, s1  }
0x8c: {  	s16 =	sshll.u32 s0, $0xA;
	s2 =	sadd.s32 s3, s2  }
0x8d: {  	s2 =	sadd.s32 s2, s16  }
0x8e: {  	[smem:$0x3FBD] =	sst s2  }
0x8f: {  	_ = 	snop  }
0x90: {  	(tm) =	ssettm $0x1  }
0x91: {  	s17 =	sld [smem:$0x3FFB];
	_ =	sdelay $0x3  }
0x92: {  	_ =	strace s17  }
0x93: {  	s2 =	sld [smem:$0x3FFC];
	_ =	sdelay $0x3  }
0x94: {  	_ =	strace s2  }
0x95: {  	s2 =	sld [smem:$0x3FFD];
	_ =	sdelay $0x3  }
0x96: {  	_ =	strace s2  }
0x97: {  	_ =	strace $0x8FFFFFFF  }
0x98: {  	s18 =	sld [smem:$0x3FDB];
	_ =	sdelay $0x1  }
0x99: {  	s19 =	simm.s32 $_scs_section_size  }
0x9a: {  	s4 =	simm.s32 $_size__tile_overlayer_lowered;
	s5 =	simm.s32 $_tile_overlayer_lowered  }
0x9b: {  	s22 =	simm.s32 $0x1BFF;
	s21 =	sshll.u32 s5, $0x1;
	s2 =	sadd.s32 s19, s18  }
0x9c: {  	s6 =	simm.s32 $0x0;
	s20 =	sshll.u32 s4, $0x1;
	s4 =	sadd.s32 s21, s2  }
0x9d: {  	[timem:s6], [sflag:s22] =	dma.local [hbm:s4], s20  }
0x9e: {  	_ =	swait.ge [sflag:s22], s20  }
0x9f: {  	s3 =	ssub.s32 $0x0, s20;
	[sflag:s22] =	ssyncset.done $0x0  }
0xa0: {  	[sflag:s22] =	ssyncadd.s32 s3;
	_ =	sdelay $0x1  }
0xa1: {  	s23 =	simm.s32 $0x1B8B  }
0xa2: {  	_ =	swait.ge [sflag:s23], $0x1  }
0xa3: {  	[sflag:s23] =	ssyncset.done $0x0  }
0xa4: {  	s25 =	simm.s32 $0x1B8E;
	s24 =	sld [smem:$0x3FFE];
	[sflag:s23] =	ssyncadd.s32 $0xFFFFFFFF  }
0xa5: {  	s26 =	simm.s32 $execute0_lowered;
	[smem:$0x3FD2] =	sst s25  }
0xa6: {  	s4 =	sshll.u32 s26, $0x1;
	_ =	strace $0x80000049;
	[dreg:$0x1] =	wrdreg $0xFFFFFFFF  }
0xa7: {  	s28 =	simm.s32 $_size_execute0_lowered;
	s2 =	sadd.s32 s2, s4;
	[dreg:$0x0] =	wrdreg $0x0  }
0xa8: {  	s4 =	sshll.u32 s28, $0x1;
	[dreg:$0x2] =	wrdreg s2  }
0xa9: {  	[dreg:$0x3] =	wrdreg s4  }
0xaa: {  	[dreg:$0x4] =	wrdreg $0xC0  }
0xab: {  	_ =	task [dreg:s6], $0x5FFFF  }
0xac: {  	[dreg:$0x1] =	wrdreg $0xFFFFFFFF  }
0xad: {  	[dreg:$0x0] =	wrdreg $0x60  }
0xae: {  	[dreg:$0x2] =	wrdreg s24  }
0xaf: {  	[dreg:$0x3] =	wrdreg $0x81000  }
0xb0: {  	[dreg:$0x4] =	wrdreg $0x9  }
0xb1: {  	_ =	task.clear_ibuf [dreg:s6], $0x5FFFF;
	_ =	strace $0x90000049  }
0xb2: {  	s29 =	simm.s32 $0x9;
	_ =	strace $0x8000004B  }
0xb3: {  	_ =	swait.ge [sflag:s29], $0x1  }
0xb4: {  	[sflag:s29] =	ssyncadd.s32 $0xFFFFFFFF  }
0xb5: {  	_ =	strace $0x9000004B  }
0xb6: {  	_ =	sfence  }
0xb7: {  	s30 =	sld [smem:$0x0];
	_ =	sdelay $0x2  }
0xb8: {  	s31 =	sshll.u32 s1, $0xD;
	s1 =	sshrl.u32 s1, $0x2  }
0xb9: {  	s3 =	sand.u32 $0x4000, s31;
	s1 =	sadd.s32 s1, s30  }
0xba: {  	s0 =	sor.u32 s3, s0;
	s1 =	sshll.u32 s1, $0x11  }
0xbb: {  	s0 =	sor.u32 s1, s0  }
0xbc: {  	s0 =	sadd.s32 $0x8F2B, s0  }
0xbd: {  	[sflag:s0] =	ssyncadd.remote.s32 $0x1  }
0xbe: {  	_ =	sfence.sel $0xFFFF  }
0xbf: {  	[dreg:$0x0] =	wrdreg $0xFFFFFFFF;
	(pc) =	sbr.abs _section_cstart, $3  }
0xc0: {  	[dreg:$0x1] =	wrdreg $0xFFFFFFFF  }
0xc1: {  	_ =	task.clear_ibuf [dreg:s6], $0x2FFFF;
	_ =	strace $0x9FFFFFFF  }
0xc2: {  	(tm) =	ssettm $0x7FFFFFFF  }
0xc3: {  	_ =	shalt  }
tec
execute0_lowered:
.L_overlay_start_1:
0x0: {  	(tag) =	ssettag $0x1  }
0x1: {  	s7 =	rddreg [dreg:$0x0]  }
0x2: {  	s2 =	rddreg [dreg:$0x1]  }
0x3: {  	s0 =	rddreg [dreg:$0x2];
	s4 =	srdreg.scid  }
0x4: {  	s1 =	stileid.u32;
	s3 =	simm.s32 $0x0;
	s22 =	simm.s32 $0x80  }
0x5: {  	s23 =	simm.s32 $0x100;
	s24 =	simm.s32 $0x1;
	s25 =	simm.s32 $0x0  }
0x6: {  	s17 =	sand.u32 $0x1, s4;
	s8 =	smul.u32 $0x280, s1;
	[smem:$0x7FF] =	sst s3  }
0x7: {  	s4 =	sadd.s32 $0x17200, s7;
	s10 =	smul.u32 $0x50000, s1;
	s5 =	sadd.s32 $0x3600, s7  }
0x8: {  	s6 =	sadd.s32 $0xD400, s7;
	s19 =	sshll.u32 s1, $0x1;
	s20 =	sshll.u32 s1, $0x8  }
0x9: {  	s9 =	smul.u32 $0x2800, s17;
	_ =	strace $0x8000004A;
	s30 =	ssub.s32 $0x2, s17  }
0xa: {  	s19 =	sor.u32 s19, s17;
	s21 =	sshll.u32 s17, $0x7;
	s31 =	sshrl.u32 s30, $0x1  }
0xb: {  	s10 =	sshrl.u32 s10, $0x2;
	s8 =	sadd.s32 s8, s9;
	s18 =	ssub.s32 s30, s31  }
0xc: {  	s19 =	ssub.s32 $0x9E3, s19;
	s8 =	sshll.u32 s8, $0x4;
	s17 =	smax.u32 s18, $0x1  }
0xd: {  	s18 =	sshrl.u32 s19, $0x5;
	s19 =	sor.u32 s21, s20;
	s20 =	simm.s32 $0x4100  }
0xe: {  	s21 =	simm.s32 $0x2;
	s16 =	sadd.s32 s8, s7;
	s7 =	sadd.s32 s10, s2  }
0xf: {  	s8 =	sadd.s32 $0x4000, s7;
	s9 =	sadd.s32 $0x8000, s7;
	s10 =	sadd.s32 $0xC000, s7  }
0x10: {  	s11 =	sadd.s32 $0x10000, s7;
	s12 =	sadd.s32 $0x65600, s16;
	s13 =	sadd.s32 $0x65E00, s16  }
0x11: {  	v0 =	vimm.f32 $0.0e+00;
	s14 =	sadd.s32 $0x66600, s16;
	s15 =	sadd.s32 $0x66E00, s16;
	s16 =	sadd.s32 $0x67600, s16  }
.LBB2_1:
0x12: {  	s26 =	simm.s32 $0x0;
	s28 =	simm.s32 $0x200  }
.LBB2_2:
0x13: {  	p0 =	sne.s32 s28, $0xFE00;
	[tilespmem:s26+$0x4170] =	vst v0  }
0x14: {  	[tilespmem:s26+$0x4100] =	vst v0  }
0x15: {  	[tilespmem:s26+$0x4110] =	vst v0  }
.Ltmp0:
0x16: {  	[tilespmem:s26+$0x4120] =	vst v0;
	(pc) =	sbr.rel @p0 .LBB2_2-.Ltmp0, $4  }
0x17: {  	[tilespmem:s26+$0x4130] =	vst v0  }
0x18: {  	[tilespmem:s26+$0x4140] =	vst v0  }
0x19: {  	[tilespmem:s26+$0x4150] =	vst v0  }
0x1a: {  	[tilespmem:s26+$0x4160] =	vst v0;
	s26 =	sshra.s32 s28, $0x2;
	s28 =	sadd.s32 $0x200, s28  }
0x1b: {  	[tilespmem:s26+$0x4170] =	vst v0  }
0x1c: {  	[tilespmem:s26+$0x4100] =	vst v0  }
0x1d: {  	[tilespmem:s26+$0x4110] =	vst v0  }
0x1e: {  	[tilespmem:s26+$0x4120] =	vst v0  }
0x1f: {  	[tilespmem:s26+$0x4130] =	vst v0  }
0x20: {  	[tilespmem:s26+$0x4140] =	vst v0  }
0x21: {  	[tilespmem:s26+$0x4150] =	vst v0  }
0x22: {  	[tilespmem:s26+$0x4160] =	vst v0  }
0x23: {  	[spmem:s7] =	stream.linear.scatter [tilespmem:s20], [sflag:$0x2], $0x4000, $0x38;
	[tilespmem:$0x1C100] =	vst v63  }
0x24: {  	_ =	swait.ge [sflag:s21], $0x4000  }
0x25: {  	[sflag:s21] =	ssyncset.done $0x0  }
0x26: {  	[sflag:s21] =	ssyncadd.s32 $0xFFFFC000  }
0x27: {  	[spmem:s8] =	stream.linear.scatter [tilespmem:s20], [sflag:$0x2], $0x4000, $0x38;
	[tilespmem:$0x1C100] =	vst v63  }
0x28: {  	_ =	swait.ge [sflag:s21], $0x4000  }
0x29: {  	[sflag:s21] =	ssyncset.done $0x0  }
0x2a: {  	[sflag:s21] =	ssyncadd.s32 $0xFFFFC000  }
0x2b: {  	[spmem:s9] =	stream.linear.scatter [tilespmem:s20], [sflag:$0x2], $0x4000, $0x38;
	[tilespmem:$0x1C100] =	vst v63  }
0x2c: {  	_ =	swait.ge [sflag:s21], $0x4000  }
0x2d: {  	[sflag:s21] =	ssyncset.done $0x0  }
0x2e: {  	[sflag:s21] =	ssyncadd.s32 $0xFFFFC000  }
0x2f: {  	[spmem:s10] =	stream.linear.scatter [tilespmem:s20], [sflag:$0x2], $0x4000, $0x38;
	[tilespmem:$0x1C100] =	vst v63  }
0x30: {  	_ =	swait.ge [sflag:s21], $0x4000  }
0x31: {  	[sflag:s21] =	ssyncset.done $0x0  }
0x32: {  	p1 =	sne.s32 s18, $0x1;
	[sflag:s21] =	ssyncadd.s32 $0xFFFFC000  }
0x33: {  	[spmem:s11] =	stream.linear.scatter [tilespmem:s20], [sflag:$0x2], $0x4000, $0x38;
	[tilespmem:$0x1C100] =	vst v63  }
.Ltmp1:
0x34: {  	_ =	swait.ge [sflag:s21], $0x4000;
	(pc) =	sbr.rel @!p1 .LBB2_6-.Ltmp1, $4  }
0x35: {  	[sflag:s21] =	ssyncset.done $0x0  }
0x36: {  	[sflag:s21] =	ssyncadd.s32 $0xFFFFC000  }
0x37: {  	[bflag:$0x0] =	sbarrier.arrive $0xFFFF  }
0x38: {  	s26 =	sadd.s32 $0xFFFFFFFF, s18;
	s29 =	sshrl.u32 s19, $0x3;
	p0 =	por $0x0, $0x0  }
0x39: {  	s28 =	sadd.s32 s5, s29  }
0x3a: {  	[tilespmem:s3], [sflag:$0x2] =	stream.linear.gather [hbm4b:s28+s3], $0x80, $0x38;
	[tilespmem:$0x1C100] =	vst v63  }
0x3b: {  	_ =	swait.ge [sflag:s21], $0x80  }
0x3c: {  	[sflag:s21] =	ssyncset.done $0x0  }
0x3d: {  	s28 =	sadd.s32 s6, s29;
	[sflag:s21] =	ssyncadd.s32 $0xFFFFFF80  }
0x3e: {  	[tilespmem:s22], [sflag:$0x2] =	stream.linear.gather [hbm4b:s28+s3], $0x80, $0x38;
	[tilespmem:$0x1C100] =	vst v63  }
0x3f: {  	_ =	swait.ge [sflag:s21], $0x80  }
0x40: {  	[sflag:s21] =	ssyncset.done $0x0  }
0x41: {  	[sflag:s21] =	ssyncadd.s32 $0xFFFFFF80  }
0x42: {  	[tilespmem:s23], [sflag:$0x1] =	stream.indirect.gather [hbm4b:s4+s22], $0x80, s3, s22, $0xb8;
	[tilespmem:$0x1C100] =	vst v63  }
0x43: {  	p1 =	sne.s32 s26, $0x1;
	_ =	swait.ge [sflag:s24], $0x4000  }
.Ltmp2:
0x44: {  	[sflag:s24] =	ssyncset.done $0x0;
	(pc) =	sbr.rel @!p1 .LBB2_6-.Ltmp2, $4  }
0x45: {  	[sflag:s24] =	ssyncadd.s32 $0xFFFFC000  }
0x46: {  	[spmem:s2] =	stream.indirect.scatter.add.f32 [tilespmem:s23], [sflag:$0x2], $0x80, s22, s22, $0xb8;
	[tilespmem:$0x1C100] =	vst v63  }
0x47: {  	s26 =	sadd.s32 $0xFFFFFFFF, s26;
	s28 =	sadd.s32 $0x1000, s19;
	_ =	swait.ge [sflag:s21], $0x4000  }
0x48: {  	p0 =	por $0x1, $0x1;
	s29 =	sshrl.u32 s28, $0x3;
	[sflag:s21] =	ssyncset.done $0x0  }
.LBB2_5:
0x49: {  	p1 =	sne.s32 s26, $0x1;
	s30 =	sadd.s32 s5, s29;
	[sflag:s21] =	ssyncadd.s32 $0xFFFFC000  }
0x4a: {  	[tilespmem:s3], [sflag:$0x2] =	stream.linear.gather [hbm4b:s30+s3], $0x80, $0x38;
	[tilespmem:$0x1C100] =	vst v63  }
0x4b: {  	s26 =	sadd.s32 $0xFFFFFFFF, s26;
	_ =	swait.ge [sflag:s21], $0x80  }
0x4c: {  	[sflag:s21] =	ssyncset.done $0x0  }
0x4d: {  	s29 =	sadd.s32 s6, s29;
	[sflag:s21] =	ssyncadd.s32 $0xFFFFFF80  }
0x4e: {  	[tilespmem:s22], [sflag:$0x2] =	stream.linear.gather [hbm4b:s29+s3], $0x80, $0x38;
	[tilespmem:$0x1C100] =	vst v63  }
0x4f: {  	_ =	swait.ge [sflag:s21], $0x80  }
0x50: {  	[sflag:s21] =	ssyncset.done $0x0  }
0x51: {  	[sflag:s21] =	ssyncadd.s32 $0xFFFFFF80  }
0x52: {  	[tilespmem:s23], [sflag:$0x1] =	stream.indirect.gather [hbm4b:s4+s22], $0x80, s3, s22, $0xb8;
	[tilespmem:$0x1C100] =	vst v63  }
0x53: {  	_ =	swait.ge [sflag:s24], $0x4000  }
.Ltmp3:
0x54: {  	[sflag:s24] =	ssyncset.done $0x0;
	(pc) =	sbr.rel @p1 .LBB2_5-.Ltmp3, $4  }
0x55: {  	[sflag:s24] =	ssyncadd.s32 $0xFFFFC000  }
0x56: {  	[spmem:s2] =	stream.indirect.scatter.add.f32 [tilespmem:s23], [sflag:$0x2], $0x80, s22, s22, $0xb8;
	[tilespmem:$0x1C100] =	vst v63  }
0x57: {  	s28 =	sadd.s32 $0x1000, s28;
	_ =	swait.ge [sflag:s21], $0x4000  }
0x58: {  	s29 =	sshrl.u32 s28, $0x3;
	[sflag:s21] =	ssyncset.done $0x0  }
.LBB2_6:
0x59: {  	s26 =	sadd.s32 s5, s29;
	[sflag:s21] =	ssyncadd.s32 @p0 $0xFFFFC000  }
0x5a: {  	[tilespmem:s3], [sflag:$0x2] =	stream.linear.gather [hbm4b:s26+s3], $0x80, $0x38;
	[tilespmem:$0x1C100] =	vst v63  }
0x5b: {  	_ =	swait.ge [sflag:s21], $0x80  }
0x5c: {  	[sflag:s21] =	ssyncset.done $0x0  }
0x5d: {  	s29 =	sadd.s32 s6, s29;
	[sflag:s21] =	ssyncadd.s32 $0xFFFFFF80  }
0x5e: {  	[tilespmem:s22], [sflag:$0x2] =	stream.linear.gather [hbm4b:s29+s3], $0x80, $0x38;
	[tilespmem:$0x1C100] =	vst v63  }
0x5f: {  	_ =	swait.ge [sflag:s21], $0x80  }
0x60: {  	[sflag:s21] =	ssyncset.done $0x0  }
0x61: {  	[sflag:s21] =	ssyncadd.s32 $0xFFFFFF80  }
0x62: {  	[tilespmem:s23], [sflag:$0x1] =	stream.indirect.gather [hbm4b:s4+s22], $0x80, s3, s22, $0xb8;
	[tilespmem:$0x1C100] =	vst v63  }
0x63: {  	_ =	swait.ge [sflag:s24], $0x4000  }
0x64: {  	[sflag:s24] =	ssyncset.done $0x0  }
0x65: {  	[sflag:s24] =	ssyncadd.s32 $0xFFFFC000  }
0x66: {  	[spmem:s2] =	stream.indirect.scatter.add.f32 [tilespmem:s23], [sflag:$0x2], $0x80, s22, s22, $0xb8;
	[tilespmem:$0x1C100] =	vst v63  }
0x67: {  	_ =	swait.ge [sflag:s21], $0x4000  }
0x68: {  	[sflag:s21] =	ssyncset.done $0x0  }
0x69: {  	s30 =	sshll.u32 s1, $0x6;
	[sflag:s21] =	ssyncadd.s32 $0xFFFFC000  }
0x6a: {  	s28 =	sshrl.u32 s7, $0x3;
	s26 =	sor.u32 $0x1C02, s30;
	[bflag:$0x0] =	sbarrier.arrive $0xFFFF  }
0x6b: {  	[hbm:s12], [sflag:s26] =	dma.local [spmem:s28], $0x800  }
0x6c: {  	_ =	swait.ge [sflag:s21], $0x800  }
0x6d: {  	[sflag:s21] =	ssyncset.done $0x0  }
0x6e: {  	s31 =	sshrl.u32 s8, $0x3;
	[sflag:s21] =	ssyncadd.s32 $0xFFFFF800  }
0x6f: {  	[hbm:s13], [sflag:s26] =	dma.local [spmem:s31], $0x800  }
0x70: {  	_ =	swait.ge [sflag:s21], $0x800  }
0x71: {  	[sflag:s21] =	ssyncset.done $0x0  }
0x72: {  	s29 =	sshrl.u32 s9, $0x3;
	[sflag:s21] =	ssyncadd.s32 $0xFFFFF800  }
0x73: {  	[hbm:s14], [sflag:s26] =	dma.local [spmem:s29], $0x800  }
0x74: {  	_ =	swait.ge [sflag:s21], $0x800  }
0x75: {  	[sflag:s21] =	ssyncset.done $0x0  }
0x76: {  	s30 =	sshrl.u32 s10, $0x3;
	[sflag:s21] =	ssyncadd.s32 $0xFFFFF800  }
0x77: {  	[hbm:s15], [sflag:s26] =	dma.local [spmem:s30], $0x800  }
0x78: {  	s25 =	sadd.s32 $0x1, s25;
	_ =	swait.ge [sflag:s21], $0x800  }
0x79: {  	p0 =	sne.s32 s25, s17;
	[sflag:s21] =	ssyncset.done $0x0  }
.Ltmp4:
0x7a: {  	s31 =	sshrl.u32 s11, $0x3;
	[sflag:s21] =	ssyncadd.s32 $0xFFFFF800;
	(pc) =	sbr.rel @p0 .LBB2_1-.Ltmp4, $4  }
0x7b: {  	[hbm:s16], [sflag:s26] =	dma.local [spmem:s31], $0x800  }
0x7c: {  	_ =	swait.ge [sflag:s21], $0x800  }
0x7d: {  	[sflag:s21] =	ssyncset.done $0x0  }
0x7e: {  	[sflag:s21] =	ssyncadd.s32 $0xFFFFF800  }
0x7f: {  	_ =	sfence.sel $0x180000  }
0x80: {  	[bflag:$0x0] =	sbarrier.arrive $0xFFFF  }
0x81: {  	p0 =	sne.s32 s1, $0x0;
	_ =	strace $0x9000004A  }
0x82: {  	s0 =	sadd.s32 @!p0 $0x100000, s0;
	[bflag:$0x2] =	sbarrier.arrive $0xFFFF  }
0x83: {  	[sflag:s0] =	ssyncadd.tile.s32 @!p0 $0x1;
	_ =	shalt  }
.Lfunc_end2:
_tile_overlayer_lowered:
.L_overlay_start_2:
0x84: {  	(tag) =	ssettag $0x2  }
0x85: {  	s0 =	rddreg [dreg:$0x0];
	s2 =	stileid.u32  }
0x86: {  	s1 =	rddreg [dreg:$0x1];
	p0 =	sne.s32 s2, $0x0  }
0x87: {  	s3 =	rddreg [dreg:$0x2];
	[bflag:$0x3] =	sbarrier.arrive $0xFFFF;
	s2 =	simm.s32 @!p0 $0x1C02  }
0x88: {  	[timem:s3], [sflag:s2] =	dma.local @!p0 [hbm:s0], s1  }
0x89: {  	s0 =	simm.s32 @!p0 $0x2  }
0x8a: {  	_ =	swait.ge @!p0 [sflag:s0], s1  }
0x8b: {  	s1 =	ssub.s32 @!p0 $0x0, s1;
	[sflag:s0] =	ssyncset.done @!p0 $0x0  }
0x8c: {  	[sflag:s0] =	ssyncadd.s32 @!p0 s1  }
0x8d: {  	[bflag:$0x3] =	sbarrier.arrive $0xFFFF  }
0x8e: {  	_ =	shalt  }

// kernel: kernel.15.cloned.1.call-start
scs
__scs_entry_jumppad:
0x0: {  	(pc) =	sbr.rel $0x88, $3  }
0x1: {  	(tag) =	ssettag $0x0;
	lr =	simm.s32 $0x1  }
0x2: {  	[smem:$0x3F96] =	sst lr;
	_ =	strace $0xD0000000  }
0x3: {  	_ = 	snop  }
0x4: {  	_ = 	snop  }
0x5: {  	_ = 	snop  }
0x6: {  	_ = 	snop  }
0x7: {  	_ = 	snop  }
__scs_overlays_trampoline_lowered:
0x8: {  	[smem:$0x3FA5] =	sst s0  }
0x9: {  	[smem:$0x3FA6] =	sst s1  }
0xa: {  	[smem:$0x3FA7] =	sst s2  }
0xb: {  	[smem:$0x3FA8] =	sst s3  }
0xc: {  	[smem:$0x3FA9] =	sst s4  }
0xd: {  	[smem:$0x3FAA] =	sst s5  }
0xe: {  	[smem:$0x3FAB] =	sst s6  }
0xf: {  	[smem:$0x3FAC] =	sst s7  }
0x10: {  	[smem:$0x3FAD] =	sst s8  }
0x11: {  	[smem:$0x3FAE] =	sst s9;
	s0 =	simm.s32 @!p0 $0x0  }
0x12: {  	s1 =	sld [smem:$0x3F94];
	s0 =	simm.s32 @p0 $0x1  }
0x13: {  	[smem:$0x3FAF] =	sst s0;
	s0 =	simm.s32 @!p1 $0x0  }
0x14: {  	s2 =	sld [smem:$0x3F93];
	s0 =	simm.s32 @p1 $0x1  }
0x15: {  	[smem:$0x3FB0] =	sst s0;
	s0 =	simm.s32 @!p2 $0x0  }
0x16: {  	s3 =	sld [smem:$0x3FDB];
	s0 =	simm.s32 @p2 $0x1  }
0x17: {  	s4 =	simm.s32 $0x1BF5;
	[smem:$0x3FB2] =	sst s0  }
0x18: {  	s0 =	sld [smem:$0x3F95];
	_ =	swait.ge [sflag:s4], $0x0  }
0x19: {  	s7 =	sld [smem:$0x3F96]  }
0x1a: {  	s8 =	sadd.s32 $0xFFFFE003, lr  }
0x1b: {  	s9 =	sadd.s32 $0xFFFFFEF7, lr;
	s5 =	simm.s32 $0xFFFFFFFF;
	p2 =	slt.u32 s8, $0xFFFFF086  }
0x1c: {  	p1 =	slt.u32 s9, $0xF7A;
	s5 =	simm.s32 @!p2 $0x0  }
0x1d: {  	s5 =	simm.s32 @p1 $0x1;
	p0 =	seq.s32 s7, s2  }
0x1e: {  	s7 =	smul.u32 @!p0 $0xF7A, s2;
	p2 =	seq.s32 @!p0 s5, $0x0  }
0x1f: {  	s9 =	smul.u32 $0xF7A, s1;
	s8 =	simm.s32 @!p0 $0x1BF5;
	p2 =	por !p2, p0  }
0x20: {  	[sflag:s8] =	ssyncset.s32 @!p0 $0xFFFFF086;
	s6 =	sadd.s32 @!p0 s3, s7;
	s7 =	simm.s32 @!p0 $0x108  }
0x21: {  	s3 =	sadd.s32 s3, s9;
	s6 =	sadd.s32 @!p0 $0x88, s6;
	s7 =	simm.s32 @p2 $0x1082  }
0x22: {  	[simem:s7], [sflag:s8] =	dma.local @!p0 [hbm:s6], $0xF7A  }
0x23: {  	s9 =	sor.u32 $0xD0000000, s2;
	s6 =	simm.s32 $0x108;
	_ =	swait.ge @!p0 [sflag:s8], $0x0  }
0x24: {  	s3 =	sadd.s32 $0x88, s3;
	s6 =	simm.s32 @!p1 $0x1082;
	[sflag:s4] =	ssyncset.s32 $0xFFFFF086  }
0x25: {  	[simem:s6], [sflag:s4] =	dma.local [hbm:s3], $0xF7A  }
0x26: {  	[smem:$0x3F96] =	sst s1;
	(tag) =	ssettag s2;
	_ =	strace s9  }
0x27: {  	s1 =	sld [smem:$0x3FA6]  }
0x28: {  	s2 =	sld [smem:$0x3FA7]  }
0x29: {  	s4 =	sld [smem:$0x3FA9]  }
0x2a: {  	p0 =	seq.s32 s5, $0x0;
	s5 =	sld [smem:$0x3FAA]  }
0x2b: {  	s6 =	sld [smem:$0x3FAB]  }
0x2c: {  	s7 =	sld [smem:$0x3FAC]  }
0x2d: {  	s3 =	simm.s32 $0x108;
	s8 =	sld [smem:$0x3FAD]  }
0x2e: {  	s3 =	simm.s32 @!p0 $0x1082;
	s9 =	sld [smem:$0x3FAE]  }
0x2f: {  	lr =	sadd.s32 s0, s3;
	s0 =	sld [smem:$0x3FA5]  }
0x30: {  	s3 =	sld [smem:$0x3FA8]  }
0x31: {  	[smem:$0x3FB1] =	sst s10  }
0x32: {  	s10 =	sld [smem:$0x3FAF];
	_ =	sdelay $0x3  }
0x33: {  	p0 =	seq.s32 s10, $0x1;
	s10 =	sld [smem:$0x3FB1];
	_ =	sdelay $0x3  }
0x34: {  	[smem:$0x3FB1] =	sst s10  }
0x35: {  	s10 =	sld [smem:$0x3FB0];
	_ =	sdelay $0x3  }
0x36: {  	p1 =	seq.s32 s10, $0x1;
	s10 =	sld [smem:$0x3FB1];
	_ =	sdelay $0x3  }
0x37: {  	[smem:$0x3FB1] =	sst s10  }
0x38: {  	s10 =	sld [smem:$0x3FB2]  }
0x39: {  	_ = 	snop;
	(pc) =	sbr.ind lr, $3  }
0x3a: {  	_ = 	snop  }
0x3b: {  	_ = 	snop  }
0x3c: {  	p2 =	seq.s32 s10, $0x1;
	s10 =	sld [smem:$0x3FB1]  }
0x3d: {  	_ =	shalt  }
0x3e: {  	_ =	shalt  }
0x3f: {  	_ =	shalt  }
0x40: {  	_ =	shalt  }
0x41: {  	_ =	shalt  }
0x42: {  	_ =	shalt  }
0x43: {  	_ =	shalt  }
0x44: {  	_ =	shalt  }
0x45: {  	_ =	shalt  }
0x46: {  	_ =	shalt  }
0x47: {  	_ =	shalt  }
0x48: {  	_ =	shalt  }
0x49: {  	_ =	shalt  }
0x4a: {  	_ =	shalt  }
0x4b: {  	_ =	shalt  }
0x4c: {  	_ =	shalt  }
0x4d: {  	_ =	shalt  }
0x4e: {  	_ =	shalt  }
0x4f: {  	_ =	shalt  }
0x50: {  	_ =	shalt  }
0x51: {  	_ =	shalt  }
0x52: {  	_ =	shalt  }
0x53: {  	_ =	shalt  }
0x54: {  	_ =	shalt  }
0x55: {  	_ =	shalt  }
0x56: {  	_ =	shalt  }
0x57: {  	_ =	shalt  }
0x58: {  	_ =	shalt  }
0x59: {  	_ =	shalt  }
0x5a: {  	_ =	shalt  }
0x5b: {  	_ =	shalt  }
0x5c: {  	_ =	shalt  }
0x5d: {  	_ =	shalt  }
0x5e: {  	_ =	shalt  }
0x5f: {  	_ =	shalt  }
0x60: {  	_ =	shalt  }
0x61: {  	_ =	shalt  }
0x62: {  	_ =	shalt  }
0x63: {  	_ =	shalt  }
0x64: {  	_ =	shalt  }
0x65: {  	_ =	shalt  }
0x66: {  	_ =	shalt  }
0x67: {  	_ =	shalt  }
0x68: {  	_ =	shalt  }
0x69: {  	_ =	shalt  }
0x6a: {  	_ =	shalt  }
0x6b: {  	_ =	shalt  }
0x6c: {  	_ =	shalt  }
0x6d: {  	_ =	shalt  }
0x6e: {  	_ =	shalt  }
0x6f: {  	_ =	shalt  }
0x70: {  	_ =	shalt  }
0x71: {  	_ =	shalt  }
0x72: {  	_ =	shalt  }
0x73: {  	_ =	shalt  }
0x74: {  	_ =	shalt  }
0x75: {  	_ =	shalt  }
0x76: {  	_ =	shalt  }
0x77: {  	_ =	shalt  }
0x78: {  	_ =	shalt  }
0x79: {  	_ =	shalt  }
0x7a: {  	_ =	shalt  }
0x7b: {  	_ =	shalt  }
0x7c: {  	_ =	shalt  }
0x7d: {  	_ =	shalt  }
0x7e: {  	_ =	shalt  }
0x7f: {  	_ =	shalt  }
0x80: {  	_ =	shalt  }
0x81: {  	_ =	shalt  }
0x82: {  	_ =	shalt  }
0x83: {  	_ =	shalt  }
0x84: {  	_ =	shalt  }
0x85: {  	_ =	shalt  }
0x86: {  	_ =	shalt  }
0x87: {  	_ =	shalt  }
.Lfunc_end0:
.L_simem_size_0:
called_computation.2_lowered:
.L_overlay_start_0:
0x88: {  	s2 =	sld [smem:$0x3FD9]  }
0x89: {  	s3 =	sld [smem:$0x3FFE];
	_ =	sdelay $0x1  }
0x8a: {  	s1 =	srdreg.scid  }
0x8b: {  	s0 =	sand.u32 $0x1, s1  }
0x8c: {  	s16 =	sshll.u32 s0, $0xA;
	s2 =	sadd.s32 s3, s2  }
0x8d: {  	s2 =	sadd.s32 s2, s16  }
0x8e: {  	[smem:$0x3FBD] =	sst s2  }
0x8f: {  	_ = 	snop  }
0x90: {  	(tm) =	ssettm $0x1  }
0x91: {  	s17 =	sld [smem:$0x3FFB];
	_ =	sdelay $0x3  }
0x92: {  	_ =	strace s17  }
0x93: {  	s2 =	sld [smem:$0x3FFC];
	_ =	sdelay $0x3  }
0x94: {  	_ =	strace s2  }
0x95: {  	s2 =	sld [smem:$0x3FFD];
	_ =	sdelay $0x3  }
0x96: {  	_ =	strace s2  }
0x97: {  	_ =	strace $0x8FFFFFFF  }
0x98: {  	s18 =	sld [smem:$0x3FDB];
	_ =	sdelay $0x1  }
0x99: {  	s19 =	simm.s32 $_scs_section_size  }
0x9a: {  	s4 =	simm.s32 $_size__tile_overlayer_lowered;
	s5 =	simm.s32 $_tile_overlayer_lowered  }
0x9b: {  	s22 =	simm.s32 $0x1BFF;
	s21 =	sshll.u32 s5, $0x1;
	s2 =	sadd.s32 s19, s18  }
0x9c: {  	s6 =	simm.s32 $0x0;
	s20 =	sshll.u32 s4, $0x1;
	s4 =	sadd.s32 s21, s2  }
0x9d: {  	[timem:s6], [sflag:s22] =	dma.local [hbm:s4], s20  }
0x9e: {  	_ =	swait.ge [sflag:s22], s20  }
0x9f: {  	s3 =	ssub.s32 $0x0, s20;
	[sflag:s22] =	ssyncset.done $0x0  }
0xa0: {  	[sflag:s22] =	ssyncadd.s32 s3;
	_ =	sdelay $0x1  }
0xa1: {  	s23 =	simm.s32 $0x1B8B  }
0xa2: {  	_ =	swait.ge [sflag:s23], $0x1  }
0xa3: {  	[sflag:s23] =	ssyncset.done $0x0  }
0xa4: {  	s25 =	simm.s32 $0x1B8E;
	s24 =	sld [smem:$0x3FFE];
	[sflag:s23] =	ssyncadd.s32 $0xFFFFFFFF  }
0xa5: {  	s26 =	simm.s32 $execute0_lowered;
	[smem:$0x3FD2] =	sst s25  }
0xa6: {  	s4 =	sshll.u32 s26, $0x1;
	_ =	strace $0x8000004C;
	[dreg:$0x1] =	wrdreg $0xFFFFFFFF  }
0xa7: {  	s28 =	simm.s32 $_size_execute0_lowered;
	s2 =	sadd.s32 s2, s4;
	[dreg:$0x0] =	wrdreg $0x0  }
0xa8: {  	s4 =	sshll.u32 s28, $0x1;
	[dreg:$0x2] =	wrdreg s2  }
0xa9: {  	[dreg:$0x3] =	wrdreg s4  }
0xaa: {  	[dreg:$0x4] =	wrdreg $0xC0  }
0xab: {  	_ =	task [dreg:s6], $0x5FFFF  }
0xac: {  	[dreg:$0x1] =	wrdreg $0xFFFFFFFF  }
0xad: {  	[dreg:$0x0] =	wrdreg $0x60  }
0xae: {  	[dreg:$0x2] =	wrdreg s24  }
0xaf: {  	[dreg:$0x3] =	wrdreg $0x81000  }
0xb0: {  	[dreg:$0x4] =	wrdreg $0x9  }
0xb1: {  	_ =	task.clear_ibuf [dreg:s6], $0x5FFFF;
	_ =	strace $0x9000004C  }
0xb2: {  	s29 =	simm.s32 $0x9;
	_ =	strace $0x8000004E  }
0xb3: {  	_ =	swait.ge [sflag:s29], $0x1  }
0xb4: {  	[sflag:s29] =	ssyncadd.s32 $0xFFFFFFFF  }
0xb5: {  	_ =	strace $0x9000004E  }
0xb6: {  	_ =	sfence  }
0xb7: {  	s30 =	sld [smem:$0x0];
	_ =	sdelay $0x2  }
0xb8: {  	s31 =	sshll.u32 s1, $0xD;
	s1 =	sshrl.u32 s1, $0x2  }
0xb9: {  	s3 =	sand.u32 $0x4000, s31;
	s1 =	sadd.s32 s1, s30  }
0xba: {  	s0 =	sor.u32 s3, s0;
	s1 =	sshll.u32 s1, $0x11  }
0xbb: {  	s0 =	sor.u32 s1, s0  }
0xbc: {  	s0 =	sadd.s32 $0x8F2B, s0  }
0xbd: {  	[sflag:s0] =	ssyncadd.remote.s32 $0x1  }
0xbe: {  	_ =	sfence.sel $0xFFFF  }
0xbf: {  	[dreg:$0x0] =	wrdreg $0xFFFFFFFF;
	(pc) =	sbr.abs _section_cstart, $3  }
0xc0: {  	[dreg:$0x1] =	wrdreg $0xFFFFFFFF  }
0xc1: {  	_ =	task.clear_ibuf [dreg:s6], $0x2FFFF;
	_ =	strace $0x9FFFFFFF  }
0xc2: {  	(tm) =	ssettm $0x7FFFFFFF  }
0xc3: {  	_ =	shalt  }
tec
execute0_lowered:
.L_overlay_start_1:
0x0: {  	(tag) =	ssettag $0x1  }
0x1: {  	s7 =	rddreg [dreg:$0x0]  }
0x2: {  	s2 =	rddreg [dreg:$0x1]  }
0x3: {  	s0 =	rddreg [dreg:$0x2];
	s4 =	srdreg.scid  }
0x4: {  	s1 =	stileid.u32;
	s3 =	simm.s32 $0x0;
	s22 =	simm.s32 $0x80  }
0x5: {  	s23 =	simm.s32 $0x100;
	s24 =	simm.s32 $0x1;
	s25 =	simm.s32 $0x0  }
0x6: {  	s17 =	sand.u32 $0x1, s4;
	s8 =	smul.u32 $0x280, s1;
	[smem:$0x7FF] =	sst s3  }
0x7: {  	s4 =	sadd.s32 $0x17200, s7;
	s10 =	smul.u32 $0x50000, s1;
	s5 =	sadd.s32 $0x3600, s7  }
0x8: {  	s6 =	sadd.s32 $0xD400, s7;
	s19 =	sshll.u32 s1, $0x1;
	s20 =	sshll.u32 s1, $0x8  }
0x9: {  	s9 =	smul.u32 $0x2800, s17;
	_ =	strace $0x8000004D;
	s30 =	ssub.s32 $0x2, s17  }
0xa: {  	s19 =	sor.u32 s19, s17;
	s21 =	sshll.u32 s17, $0x7;
	s31 =	sshrl.u32 s30, $0x1  }
0xb: {  	s10 =	sshrl.u32 s10, $0x2;
	s8 =	sadd.s32 s8, s9;
	s18 =	ssub.s32 s30, s31  }
0xc: {  	s19 =	ssub.s32 $0x9E3, s19;
	s8 =	sshll.u32 s8, $0x4;
	s17 =	smax.u32 s18, $0x1  }
0xd: {  	s18 =	sshrl.u32 s19, $0x5;
	s19 =	sor.u32 s21, s20;
	s20 =	simm.s32 $0x4100  }
0xe: {  	s21 =	simm.s32 $0x2;
	s16 =	sadd.s32 s8, s7;
	s7 =	sadd.s32 s10, s2  }
0xf: {  	s8 =	sadd.s32 $0x4000, s7;
	s9 =	sadd.s32 $0x8000, s7;
	s10 =	sadd.s32 $0xC000, s7  }
0x10: {  	s11 =	sadd.s32 $0x10000, s7;
	s12 =	sadd.s32 $0x65600, s16;
	s13 =	sadd.s32 $0x65E00, s16  }
0x11: {  	v0 =	vimm.f32 $0.0e+00;
	s14 =	sadd.s32 $0x66600, s16;
	s15 =	sadd.s32 $0x66E00, s16;
	s16 =	sadd.s32 $0x67600, s16  }
.LBB2_1:
0x12: {  	s26 =	simm.s32 $0x0;
	s28 =	simm.s32 $0x200  }
.LBB2_2:
0x13: {  	p0 =	sne.s32 s28, $0xFE00;
	[tilespmem:s26+$0x4170] =	vst v0  }
0x14: {  	[tilespmem:s26+$0x4100] =	vst v0  }
0x15: {  	[tilespmem:s26+$0x4110] =	vst v0  }
.Ltmp0:
0x16: {  	[tilespmem:s26+$0x4120] =	vst v0;
	(pc) =	sbr.rel @p0 .LBB2_2-.Ltmp0, $4  }
0x17: {  	[tilespmem:s26+$0x4130] =	vst v0  }
0x18: {  	[tilespmem:s26+$0x4140] =	vst v0  }
0x19: {  	[tilespmem:s26+$0x4150] =	vst v0  }
0x1a: {  	[tilespmem:s26+$0x4160] =	vst v0;
	s26 =	sshra.s32 s28, $0x2;
	s28 =	sadd.s32 $0x200, s28  }
0x1b: {  	[tilespmem:s26+$0x4170] =	vst v0  }
0x1c: {  	[tilespmem:s26+$0x4100] =	vst v0  }
0x1d: {  	[tilespmem:s26+$0x4110] =	vst v0  }
0x1e: {  	[tilespmem:s26+$0x4120] =	vst v0  }
0x1f: {  	[tilespmem:s26+$0x4130] =	vst v0  }
0x20: {  	[tilespmem:s26+$0x4140] =	vst v0  }
0x21: {  	[tilespmem:s26+$0x4150] =	vst v0  }
0x22: {  	[tilespmem:s26+$0x4160] =	vst v0  }
0x23: {  	[spmem:s7] =	stream.linear.scatter [tilespmem:s20], [sflag:$0x2], $0x4000, $0x38;
	[tilespmem:$0x1C100] =	vst v63  }
0x24: {  	_ =	swait.ge [sflag:s21], $0x4000  }
0x25: {  	[sflag:s21] =	ssyncset.done $0x0  }
0x26: {  	[sflag:s21] =	ssyncadd.s32 $0xFFFFC000  }
0x27: {  	[spmem:s8] =	stream.linear.scatter [tilespmem:s20], [sflag:$0x2], $0x4000, $0x38;
	[tilespmem:$0x1C100] =	vst v63  }
0x28: {  	_ =	swait.ge [sflag:s21], $0x4000  }
0x29: {  	[sflag:s21] =	ssyncset.done $0x0  }
0x2a: {  	[sflag:s21] =	ssyncadd.s32 $0xFFFFC000  }
0x2b: {  	[spmem:s9] =	stream.linear.scatter [tilespmem:s20], [sflag:$0x2], $0x4000, $0x38;
	[tilespmem:$0x1C100] =	vst v63  }
0x2c: {  	_ =	swait.ge [sflag:s21], $0x4000  }
0x2d: {  	[sflag:s21] =	ssyncset.done $0x0  }
0x2e: {  	[sflag:s21] =	ssyncadd.s32 $0xFFFFC000  }
0x2f: {  	[spmem:s10] =	stream.linear.scatter [tilespmem:s20], [sflag:$0x2], $0x4000, $0x38;
	[tilespmem:$0x1C100] =	vst v63  }
0x30: {  	_ =	swait.ge [sflag:s21], $0x4000  }
0x31: {  	[sflag:s21] =	ssyncset.done $0x0  }
0x32: {  	p1 =	sne.s32 s18, $0x1;
	[sflag:s21] =	ssyncadd.s32 $0xFFFFC000  }
0x33: {  	[spmem:s11] =	stream.linear.scatter [tilespmem:s20], [sflag:$0x2], $0x4000, $0x38;
	[tilespmem:$0x1C100] =	vst v63  }
.Ltmp1:
0x34: {  	_ =	swait.ge [sflag:s21], $0x4000;
	(pc) =	sbr.rel @!p1 .LBB2_6-.Ltmp1, $4  }
0x35: {  	[sflag:s21] =	ssyncset.done $0x0  }
0x36: {  	[sflag:s21] =	ssyncadd.s32 $0xFFFFC000  }
0x37: {  	[bflag:$0x0] =	sbarrier.arrive $0xFFFF  }
0x38: {  	s26 =	sadd.s32 $0xFFFFFFFF, s18;
	s29 =	sshrl.u32 s19, $0x3;
	p0 =	por $0x0, $0x0  }
0x39: {  	s28 =	sadd.s32 s5, s29  }
0x3a: {  	[tilespmem:s3], [sflag:$0x2] =	stream.linear.gather [hbm4b:s28+s3], $0x80, $0x38;
	[tilespmem:$0x1C100] =	vst v63  }
0x3b: {  	_ =	swait.ge [sflag:s21], $0x80  }
0x3c: {  	[sflag:s21] =	ssyncset.done $0x0  }
0x3d: {  	s28 =	sadd.s32 s6, s29;
	[sflag:s21] =	ssyncadd.s32 $0xFFFFFF80  }
0x3e: {  	[tilespmem:s22], [sflag:$0x2] =	stream.linear.gather [hbm4b:s28+s3], $0x80, $0x38;
	[tilespmem:$0x1C100] =	vst v63  }
0x3f: {  	_ =	swait.ge [sflag:s21], $0x80  }
0x40: {  	[sflag:s21] =	ssyncset.done $0x0  }
0x41: {  	[sflag:s21] =	ssyncadd.s32 $0xFFFFFF80  }
0x42: {  	[tilespmem:s23], [sflag:$0x1] =	stream.indirect.gather [hbm4b:s4+s22], $0x80, s3, s22, $0xb8;
	[tilespmem:$0x1C100] =	vst v63  }
0x43: {  	p1 =	sne.s32 s26, $0x1;
	_ =	swait.ge [sflag:s24], $0x4000  }
.Ltmp2:
0x44: {  	[sflag:s24] =	ssyncset.done $0x0;
	(pc) =	sbr.rel @!p1 .LBB2_6-.Ltmp2, $4  }
0x45: {  	[sflag:s24] =	ssyncadd.s32 $0xFFFFC000  }
0x46: {  	[spmem:s2] =	stream.indirect.scatter.add.f32 [tilespmem:s23], [sflag:$0x2], $0x80, s22, s22, $0xb8;
	[tilespmem:$0x1C100] =	vst v63  }
0x47: {  	s26 =	sadd.s32 $0xFFFFFFFF, s26;
	s28 =	sadd.s32 $0x1000, s19;
	_ =	swait.ge [sflag:s21], $0x4000  }
0x48: {  	p0 =	por $0x1, $0x1;
	s29 =	sshrl.u32 s28, $0x3;
	[sflag:s21] =	ssyncset.done $0x0  }
.LBB2_5:
0x49: {  	p1 =	sne.s32 s26, $0x1;
	s30 =	sadd.s32 s5, s29;
	[sflag:s21] =	ssyncadd.s32 $0xFFFFC000  }
0x4a: {  	[tilespmem:s3], [sflag:$0x2] =	stream.linear.gather [hbm4b:s30+s3], $0x80, $0x38;
	[tilespmem:$0x1C100] =	vst v63  }
0x4b: {  	s26 =	sadd.s32 $0xFFFFFFFF, s26;
	_ =	swait.ge [sflag:s21], $0x80  }
0x4c: {  	[sflag:s21] =	ssyncset.done $0x0  }
0x4d: {  	s29 =	sadd.s32 s6, s29;
	[sflag:s21] =	ssyncadd.s32 $0xFFFFFF80  }
0x4e: {  	[tilespmem:s22], [sflag:$0x2] =	stream.linear.gather [hbm4b:s29+s3], $0x80, $0x38;
	[tilespmem:$0x1C100] =	vst v63  }
0x4f: {  	_ =	swait.ge [sflag:s21], $0x80  }
0x50: {  	[sflag:s21] =	ssyncset.done $0x0  }
0x51: {  	[sflag:s21] =	ssyncadd.s32 $0xFFFFFF80  }
0x52: {  	[tilespmem:s23], [sflag:$0x1] =	stream.indirect.gather [hbm4b:s4+s22], $0x80, s3, s22, $0xb8;
	[tilespmem:$0x1C100] =	vst v63  }
0x53: {  	_ =	swait.ge [sflag:s24], $0x4000  }
.Ltmp3:
0x54: {  	[sflag:s24] =	ssyncset.done $0x0;
	(pc) =	sbr.rel @p1 .LBB2_5-.Ltmp3, $4  }
0x55: {  	[sflag:s24] =	ssyncadd.s32 $0xFFFFC000  }
0x56: {  	[spmem:s2] =	stream.indirect.scatter.add.f32 [tilespmem:s23], [sflag:$0x2], $0x80, s22, s22, $0xb8;
	[tilespmem:$0x1C100] =	vst v63  }
0x57: {  	s28 =	sadd.s32 $0x1000, s28;
	_ =	swait.ge [sflag:s21], $0x4000  }
0x58: {  	s29 =	sshrl.u32 s28, $0x3;
	[sflag:s21] =	ssyncset.done $0x0  }
.LBB2_6:
0x59: {  	s26 =	sadd.s32 s5, s29;
	[sflag:s21] =	ssyncadd.s32 @p0 $0xFFFFC000  }
0x5a: {  	[tilespmem:s3], [sflag:$0x2] =	stream.linear.gather [hbm4b:s26+s3], $0x80, $0x38;
	[tilespmem:$0x1C100] =	vst v63  }
0x5b: {  	_ =	swait.ge [sflag:s21], $0x80  }
0x5c: {  	[sflag:s21] =	ssyncset.done $0x0  }
0x5d: {  	s29 =	sadd.s32 s6, s29;
	[sflag:s21] =	ssyncadd.s32 $0xFFFFFF80  }
0x5e: {  	[tilespmem:s22], [sflag:$0x2] =	stream.linear.gather [hbm4b:s29+s3], $0x80, $0x38;
	[tilespmem:$0x1C100] =	vst v63  }
0x5f: {  	_ =	swait.ge [sflag:s21], $0x80  }
0x60: {  	[sflag:s21] =	ssyncset.done $0x0  }
0x61: {  	[sflag:s21] =	ssyncadd.s32 $0xFFFFFF80  }
0x62: {  	[tilespmem:s23], [sflag:$0x1] =	stream.indirect.gather [hbm4b:s4+s22], $0x80, s3, s22, $0xb8;
	[tilespmem:$0x1C100] =	vst v63  }
0x63: {  	_ =	swait.ge [sflag:s24], $0x4000  }
0x64: {  	[sflag:s24] =	ssyncset.done $0x0  }
0x65: {  	[sflag:s24] =	ssyncadd.s32 $0xFFFFC000  }
0x66: {  	[spmem:s2] =	stream.indirect.scatter.add.f32 [tilespmem:s23], [sflag:$0x2], $0x80, s22, s22, $0xb8;
	[tilespmem:$0x1C100] =	vst v63  }
0x67: {  	_ =	swait.ge [sflag:s21], $0x4000  }
0x68: {  	[sflag:s21] =	ssyncset.done $0x0  }
0x69: {  	s30 =	sshll.u32 s1, $0x6;
	[sflag:s21] =	ssyncadd.s32 $0xFFFFC000  }
0x6a: {  	s28 =	sshrl.u32 s7, $0x3;
	s26 =	sor.u32 $0x1C02, s30;
	[bflag:$0x0] =	sbarrier.arrive $0xFFFF  }
0x6b: {  	[hbm:s12], [sflag:s26] =	dma.local [spmem:s28], $0x800  }
0x6c: {  	_ =	swait.ge [sflag:s21], $0x800  }
0x6d: {  	[sflag:s21] =	ssyncset.done $0x0  }
0x6e: {  	s31 =	sshrl.u32 s8, $0x3;
	[sflag:s21] =	ssyncadd.s32 $0xFFFFF800  }
0x6f: {  	[hbm:s13], [sflag:s26] =	dma.local [spmem:s31], $0x800  }
0x70: {  	_ =	swait.ge [sflag:s21], $0x800  }
0x71: {  	[sflag:s21] =	ssyncset.done $0x0  }
0x72: {  	s29 =	sshrl.u32 s9, $0x3;
	[sflag:s21] =	ssyncadd.s32 $0xFFFFF800  }
0x73: {  	[hbm:s14], [sflag:s26] =	dma.local [spmem:s29], $0x800  }
0x74: {  	_ =	swait.ge [sflag:s21], $0x800  }
0x75: {  	[sflag:s21] =	ssyncset.done $0x0  }
0x76: {  	s30 =	sshrl.u32 s10, $0x3;
	[sflag:s21] =	ssyncadd.s32 $0xFFFFF800  }
0x77: {  	[hbm:s15], [sflag:s26] =	dma.local [spmem:s30], $0x800  }
0x78: {  	s25 =	sadd.s32 $0x1, s25;
	_ =	swait.ge [sflag:s21], $0x800  }
0x79: {  	p0 =	sne.s32 s25, s17;
	[sflag:s21] =	ssyncset.done $0x0  }
.Ltmp4:
0x7a: {  	s31 =	sshrl.u32 s11, $0x3;
	[sflag:s21] =	ssyncadd.s32 $0xFFFFF800;
	(pc) =	sbr.rel @p0 .LBB2_1-.Ltmp4, $4  }
0x7b: {  	[hbm:s16], [sflag:s26] =	dma.local [spmem:s31], $0x800  }
0x7c: {  	_ =	swait.ge [sflag:s21], $0x800  }
0x7d: {  	[sflag:s21] =	ssyncset.done $0x0  }
0x7e: {  	[sflag:s21] =	ssyncadd.s32 $0xFFFFF800  }
0x7f: {  	_ =	sfence.sel $0x180000  }
0x80: {  	[bflag:$0x0] =	sbarrier.arrive $0xFFFF  }
0x81: {  	p0 =	sne.s32 s1, $0x0;
	_ =	strace $0x9000004D  }
0x82: {  	s0 =	sadd.s32 @!p0 $0x100000, s0;
	[bflag:$0x2] =	sbarrier.arrive $0xFFFF  }
0x83: {  	[sflag:s0] =	ssyncadd.tile.s32 @!p0 $0x1;
	_ =	shalt  }
.Lfunc_end2:
_tile_overlayer_lowered:
.L_overlay_start_2:
0x84: {  	(tag) =	ssettag $0x2  }
0x85: {  	s0 =	rddreg [dreg:$0x0];
	s2 =	stileid.u32  }
0x86: {  	s1 =	rddreg [dreg:$0x1];
	p0 =	sne.s32 s2, $0x0  }
0x87: {  	s3 =	rddreg [dreg:$0x2];
	[bflag:$0x3] =	sbarrier.arrive $0xFFFF;
	s2 =	simm.s32 @!p0 $0x1C02  }
0x88: {  	[timem:s3], [sflag:s2] =	dma.local @!p0 [hbm:s0], s1  }
0x89: {  	s0 =	simm.s32 @!p0 $0x2  }
0x8a: {  	_ =	swait.ge @!p0 [sflag:s0], s1  }
0x8b: {  	s1 =	ssub.s32 @!p0 $0x0, s1;
	[sflag:s0] =	ssyncset.done @!p0 $0x0  }
0x8c: {  	[sflag:s0] =	ssyncadd.s32 @!p0 s1  }
0x8d: {  	[bflag:$0x3] =	sbarrier.arrive $0xFFFF  }
0x8e: {  	_ =	shalt  }

// kernel: kernel.9.cloned.1.call-start
scs
__scs_entry_jumppad:
0x0: {  	(pc) =	sbr.rel $0x88, $3  }
0x1: {  	(tag) =	ssettag $0x0;
	lr =	simm.s32 $0x1  }
0x2: {  	[smem:$0x3F96] =	sst lr;
	_ =	strace $0xD0000000  }
0x3: {  	_ = 	snop  }
0x4: {  	_ = 	snop  }
0x5: {  	_ = 	snop  }
0x6: {  	_ = 	snop  }
0x7: {  	_ = 	snop  }
__scs_overlays_trampoline_lowered:
0x8: {  	[smem:$0x3FA5] =	sst s0  }
0x9: {  	[smem:$0x3FA6] =	sst s1  }
0xa: {  	[smem:$0x3FA7] =	sst s2  }
0xb: {  	[smem:$0x3FA8] =	sst s3  }
0xc: {  	[smem:$0x3FA9] =	sst s4  }
0xd: {  	[smem:$0x3FAA] =	sst s5  }
0xe: {  	[smem:$0x3FAB] =	sst s6  }
0xf: {  	[smem:$0x3FAC] =	sst s7  }
0x10: {  	[smem:$0x3FAD] =	sst s8  }
0x11: {  	[smem:$0x3FAE] =	sst s9;
	s0 =	simm.s32 @!p0 $0x0  }
0x12: {  	s1 =	sld [smem:$0x3F94];
	s0 =	simm.s32 @p0 $0x1  }
0x13: {  	[smem:$0x3FAF] =	sst s0;
	s0 =	simm.s32 @!p1 $0x0  }
0x14: {  	s2 =	sld [smem:$0x3F93];
	s0 =	simm.s32 @p1 $0x1  }
0x15: {  	[smem:$0x3FB0] =	sst s0;
	s0 =	simm.s32 @!p2 $0x0  }
0x16: {  	s3 =	sld [smem:$0x3FDB];
	s0 =	simm.s32 @p2 $0x1  }
0x17: {  	s4 =	simm.s32 $0x1BF5;
	[smem:$0x3FB2] =	sst s0  }
0x18: {  	s0 =	sld [smem:$0x3F95];
	_ =	swait.ge [sflag:s4], $0x0  }
0x19: {  	s7 =	sld [smem:$0x3F96]  }
0x1a: {  	s8 =	sadd.s32 $0xFFFFE003, lr  }
0x1b: {  	s9 =	sadd.s32 $0xFFFFFEF7, lr;
	s5 =	simm.s32 $0xFFFFFFFF;
	p2 =	slt.u32 s8, $0xFFFFF086  }
0x1c: {  	p1 =	slt.u32 s9, $0xF7A;
	s5 =	simm.s32 @!p2 $0x0  }
0x1d: {  	s5 =	simm.s32 @p1 $0x1;
	p0 =	seq.s32 s7, s2  }
0x1e: {  	s7 =	smul.u32 @!p0 $0xF7A, s2;
	p2 =	seq.s32 @!p0 s5, $0x0  }
0x1f: {  	s9 =	smul.u32 $0xF7A, s1;
	s8 =	simm.s32 @!p0 $0x1BF5;
	p2 =	por !p2, p0  }
0x20: {  	[sflag:s8] =	ssyncset.s32 @!p0 $0xFFFFF086;
	s6 =	sadd.s32 @!p0 s3, s7;
	s7 =	simm.s32 @!p0 $0x108  }
0x21: {  	s3 =	sadd.s32 s3, s9;
	s6 =	sadd.s32 @!p0 $0x88, s6;
	s7 =	simm.s32 @p2 $0x1082  }
0x22: {  	[simem:s7], [sflag:s8] =	dma.local @!p0 [hbm:s6], $0xF7A  }
0x23: {  	s9 =	sor.u32 $0xD0000000, s2;
	s6 =	simm.s32 $0x108;
	_ =	swait.ge @!p0 [sflag:s8], $0x0  }
0x24: {  	s3 =	sadd.s32 $0x88, s3;
	s6 =	simm.s32 @!p1 $0x1082;
	[sflag:s4] =	ssyncset.s32 $0xFFFFF086  }
0x25: {  	[simem:s6], [sflag:s4] =	dma.local [hbm:s3], $0xF7A  }
0x26: {  	[smem:$0x3F96] =	sst s1;
	(tag) =	ssettag s2;
	_ =	strace s9  }
0x27: {  	s1 =	sld [smem:$0x3FA6]  }
0x28: {  	s2 =	sld [smem:$0x3FA7]  }
0x29: {  	s4 =	sld [smem:$0x3FA9]  }
0x2a: {  	p0 =	seq.s32 s5, $0x0;
	s5 =	sld [smem:$0x3FAA]  }
0x2b: {  	s6 =	sld [smem:$0x3FAB]  }
0x2c: {  	s7 =	sld [smem:$0x3FAC]  }
0x2d: {  	s3 =	simm.s32 $0x108;
	s8 =	sld [smem:$0x3FAD]  }
0x2e: {  	s3 =	simm.s32 @!p0 $0x1082;
	s9 =	sld [smem:$0x3FAE]  }
0x2f: {  	lr =	sadd.s32 s0, s3;
	s0 =	sld [smem:$0x3FA5]  }
0x30: {  	s3 =	sld [smem:$0x3FA8]  }
0x31: {  	[smem:$0x3FB1] =	sst s10  }
0x32: {  	s10 =	sld [smem:$0x3FAF];
	_ =	sdelay $0x3  }
0x33: {  	p0 =	seq.s32 s10, $0x1;
	s10 =	sld [smem:$0x3FB1];
	_ =	sdelay $0x3  }
0x34: {  	[smem:$0x3FB1] =	sst s10  }
0x35: {  	s10 =	sld [smem:$0x3FB0];
	_ =	sdelay $0x3  }
0x36: {  	p1 =	seq.s32 s10, $0x1;
	s10 =	sld [smem:$0x3FB1];
	_ =	sdelay $0x3  }
0x37: {  	[smem:$0x3FB1] =	sst s10  }
0x38: {  	s10 =	sld [smem:$0x3FB2]  }
0x39: {  	_ = 	snop;
	(pc) =	sbr.ind lr, $3  }
0x3a: {  	_ = 	snop  }
0x3b: {  	_ = 	snop  }
0x3c: {  	p2 =	seq.s32 s10, $0x1;
	s10 =	sld [smem:$0x3FB1]  }
0x3d: {  	_ =	shalt  }
0x3e: {  	_ =	shalt  }
0x3f: {  	_ =	shalt  }
0x40: {  	_ =	shalt  }
0x41: {  	_ =	shalt  }
0x42: {  	_ =	shalt  }
0x43: {  	_ =	shalt  }
0x44: {  	_ =	shalt  }
0x45: {  	_ =	shalt  }
0x46: {  	_ =	shalt  }
0x47: {  	_ =	shalt  }
0x48: {  	_ =	shalt  }
0x49: {  	_ =	shalt  }
0x4a: {  	_ =	shalt  }
0x4b: {  	_ =	shalt  }
0x4c: {  	_ =	shalt  }
0x4d: {  	_ =	shalt  }
0x4e: {  	_ =	shalt  }
0x4f: {  	_ =	shalt  }
0x50: {  	_ =	shalt  }
0x51: {  	_ =	shalt  }
0x52: {  	_ =	shalt  }
0x53: {  	_ =	shalt  }
0x54: {  	_ =	shalt  }
0x55: {  	_ =	shalt  }
0x56: {  	_ =	shalt  }
0x57: {  	_ =	shalt  }
0x58: {  	_ =	shalt  }
0x59: {  	_ =	shalt  }
0x5a: {  	_ =	shalt  }
0x5b: {  	_ =	shalt  }
0x5c: {  	_ =	shalt  }
0x5d: {  	_ =	shalt  }
0x5e: {  	_ =	shalt  }
0x5f: {  	_ =	shalt  }
0x60: {  	_ =	shalt  }
0x61: {  	_ =	shalt  }
0x62: {  	_ =	shalt  }
0x63: {  	_ =	shalt  }
0x64: {  	_ =	shalt  }
0x65: {  	_ =	shalt  }
0x66: {  	_ =	shalt  }
0x67: {  	_ =	shalt  }
0x68: {  	_ =	shalt  }
0x69: {  	_ =	shalt  }
0x6a: {  	_ =	shalt  }
0x6b: {  	_ =	shalt  }
0x6c: {  	_ =	shalt  }
0x6d: {  	_ =	shalt  }
0x6e: {  	_ =	shalt  }
0x6f: {  	_ =	shalt  }
0x70: {  	_ =	shalt  }
0x71: {  	_ =	shalt  }
0x72: {  	_ =	shalt  }
0x73: {  	_ =	shalt  }
0x74: {  	_ =	shalt  }
0x75: {  	_ =	shalt  }
0x76: {  	_ =	shalt  }
0x77: {  	_ =	shalt  }
0x78: {  	_ =	shalt  }
0x79: {  	_ =	shalt  }
0x7a: {  	_ =	shalt  }
0x7b: {  	_ =	shalt  }
0x7c: {  	_ =	shalt  }
0x7d: {  	_ =	shalt  }
0x7e: {  	_ =	shalt  }
0x7f: {  	_ =	shalt  }
0x80: {  	_ =	shalt  }
0x81: {  	_ =	shalt  }
0x82: {  	_ =	shalt  }
0x83: {  	_ =	shalt  }
0x84: {  	_ =	shalt  }
0x85: {  	_ =	shalt  }
0x86: {  	_ =	shalt  }
0x87: {  	_ =	shalt  }
.Lfunc_end0:
.L_simem_size_0:
called_computation_lowered:
.L_overlay_start_0:
0x88: {  	s2 =	sld [smem:$0x3FD9]  }
0x89: {  	s3 =	sld [smem:$0x3FFE];
	_ =	sdelay $0x1  }
0x8a: {  	s1 =	srdreg.scid  }
0x8b: {  	s0 =	sand.u32 $0x1, s1  }
0x8c: {  	s16 =	sshll.u32 s0, $0xA;
	s2 =	sadd.s32 s3, s2  }
0x8d: {  	s2 =	sadd.s32 s2, s16  }
0x8e: {  	[smem:$0x3FBD] =	sst s2  }
0x8f: {  	_ = 	snop  }
0x90: {  	(tm) =	ssettm $0x1  }
0x91: {  	s17 =	sld [smem:$0x3FFB];
	_ =	sdelay $0x3  }
0x92: {  	_ =	strace s17  }
0x93: {  	s2 =	sld [smem:$0x3FFC];
	_ =	sdelay $0x3  }
0x94: {  	_ =	strace s2  }
0x95: {  	s2 =	sld [smem:$0x3FFD];
	_ =	sdelay $0x3  }
0x96: {  	_ =	strace s2  }
0x97: {  	_ =	strace $0x8FFFFFFF  }
0x98: {  	s18 =	sld [smem:$0x3FDB];
	_ =	sdelay $0x1  }
0x99: {  	s19 =	simm.s32 $_scs_section_size  }
0x9a: {  	s4 =	simm.s32 $_size__tile_overlayer_lowered;
	s5 =	simm.s32 $_tile_overlayer_lowered  }
0x9b: {  	s22 =	simm.s32 $0x1BFF;
	s21 =	sshll.u32 s5, $0x1;
	s2 =	sadd.s32 s19, s18  }
0x9c: {  	s6 =	simm.s32 $0x0;
	s20 =	sshll.u32 s4, $0x1;
	s4 =	sadd.s32 s21, s2  }
0x9d: {  	[timem:s6], [sflag:s22] =	dma.local [hbm:s4], s20  }
0x9e: {  	_ =	swait.ge [sflag:s22], s20  }
0x9f: {  	s3 =	ssub.s32 $0x0, s20;
	[sflag:s22] =	ssyncset.done $0x0  }
0xa0: {  	[sflag:s22] =	ssyncadd.s32 s3;
	_ =	sdelay $0x1  }
0xa1: {  	s23 =	simm.s32 $0x1B8B  }
0xa2: {  	_ =	swait.ge [sflag:s23], $0x1  }
0xa3: {  	[sflag:s23] =	ssyncset.done $0x0  }
0xa4: {  	s25 =	simm.s32 $0x1B8E;
	s24 =	sld [smem:$0x3FFE];
	[sflag:s23] =	ssyncadd.s32 $0xFFFFFFFF  }
0xa5: {  	s26 =	simm.s32 $execute0_lowered;
	[smem:$0x3FD2] =	sst s25  }
0xa6: {  	s4 =	sshll.u32 s26, $0x1;
	_ =	strace $0x80000046;
	[dreg:$0x1] =	wrdreg $0xFFFFFFFF  }
0xa7: {  	s28 =	simm.s32 $_size_execute0_lowered;
	s2 =	sadd.s32 s2, s4;
	[dreg:$0x0] =	wrdreg $0x0  }
0xa8: {  	s4 =	sshll.u32 s28, $0x1;
	[dreg:$0x2] =	wrdreg s2  }
0xa9: {  	[dreg:$0x3] =	wrdreg s4  }
0xaa: {  	[dreg:$0x4] =	wrdreg $0xC0  }
0xab: {  	_ =	task [dreg:s6], $0x5FFFF  }
0xac: {  	[dreg:$0x1] =	wrdreg $0xFFFFFFFF  }
0xad: {  	[dreg:$0x0] =	wrdreg $0x60  }
0xae: {  	[dreg:$0x2] =	wrdreg s24  }
0xaf: {  	[dreg:$0x3] =	wrdreg $0x3800  }
0xb0: {  	[dreg:$0x4] =	wrdreg $0x9  }
0xb1: {  	_ =	task.clear_ibuf [dreg:s6], $0x5FFFF;
	_ =	strace $0x90000046  }
0xb2: {  	s29 =	simm.s32 $0x9;
	_ =	strace $0x80000048  }
0xb3: {  	_ =	swait.ge [sflag:s29], $0x1  }
0xb4: {  	[sflag:s29] =	ssyncadd.s32 $0xFFFFFFFF  }
0xb5: {  	_ =	strace $0x90000048  }
0xb6: {  	_ =	sfence  }
0xb7: {  	s30 =	sld [smem:$0x0];
	_ =	sdelay $0x2  }
0xb8: {  	s31 =	sshll.u32 s1, $0xD;
	s1 =	sshrl.u32 s1, $0x2  }
0xb9: {  	s3 =	sand.u32 $0x4000, s31;
	s1 =	sadd.s32 s1, s30  }
0xba: {  	s0 =	sor.u32 s3, s0;
	s1 =	sshll.u32 s1, $0x11  }
0xbb: {  	s0 =	sor.u32 s1, s0  }
0xbc: {  	s0 =	sadd.s32 $0x8F2B, s0  }
0xbd: {  	[sflag:s0] =	ssyncadd.remote.s32 $0x1  }
0xbe: {  	_ =	sfence.sel $0xFFFF  }
0xbf: {  	[dreg:$0x0] =	wrdreg $0xFFFFFFFF;
	(pc) =	sbr.abs _section_cstart, $3  }
0xc0: {  	[dreg:$0x1] =	wrdreg $0xFFFFFFFF  }
0xc1: {  	_ =	task.clear_ibuf [dreg:s6], $0x2FFFF;
	_ =	strace $0x9FFFFFFF  }
0xc2: {  	(tm) =	ssettm $0x7FFFFFFF  }
0xc3: {  	_ =	shalt  }
tec
execute0_lowered:
.L_overlay_start_1:
0x0: {  	(tag) =	ssettag $0x1  }
0x1: {  	s1 =	srdreg.scid;
	s5 =	rddreg [dreg:$0x0]  }
0x2: {  	s0 =	stileid.u32;
	s2 =	rddreg [dreg:$0x1];
	s3 =	simm.s32 $0x0  }
0x3: {  	s12 =	simm.s32 $0x80;
	s8 =	sand.u32 $0x1, s1;
	s1 =	rddreg [dreg:$0x2]  }
0x4: {  	s15 =	simm.s32 $0x0;
	s6 =	smul.u32 $0x280, s0;
	[smem:$0x7FF] =	sst s3  }
0x5: {  	s10 =	sshll.u32 s0, $0x1;
	s31 =	sshll.u32 s0, $0x8;
	s4 =	smul.u32 $0x2800, s8  }
0x6: {  	s13 =	sshll.u32 s0, $0x6;
	_ =	strace $0x80000047;
	s9 =	ssub.s32 $0x2, s8  }
0x7: {  	s30 =	sor.u32 s10, s8;
	s11 =	sshll.u32 s8, $0x7;
	s4 =	sadd.s32 s6, s4  }
0x8: {  	s10 =	simm.s32 $0x100;
	s29 =	sshrl.u32 s9, $0x1;
	s7 =	sshrl.u32 s4, $0x3  }
0x9: {  	s13 =	sor.u32 $0x1C01, s13;
	s9 =	ssub.s32 s9, s29;
	s7 =	sadd.s32 s7, s5  }
0xa: {  	s4 =	sadd.s32 $0xD400, s5;
	s5 =	sadd.s32 s6, s2;
	s6 =	sadd.s32 $0x17200, s7  }
0xb: {  	s7 =	smax.u32 s9, $0x1;
	s9 =	ssub.s32 $0x9E3, s30;
	s14 =	sshrl.u32 s5, $0x3  }
0xc: {  	v0 =	vimm.f32 $0.0e+00;
	v1 =	vimm.f32 $1.000000000e+00;
	s8 =	sshrl.u32 s9, $0x5;
	s9 =	sor.u32 s11, s31;
	s11 =	simm.s32 $0x1  }
.LBB2_1:
0xd: {  	s16 =	simm.s32 $0x10;
	[tilespmem:s10+$0x0] =	vst v0;
	s18 =	sand.u32 $0x70, s3;
	s17 =	simm.s32 $0x100  }
.LBB2_2:
0xe: {  	p0 =	sne.s32 s16, $0x270  }
0xf: {  	[tilespmem:s18+$0x80] =	vst v1;
	s17 =	sadd.s32 $0x10, s17;
	s18 =	smov.u32 s16;
	s16 =	sadd.s32 $0x10, s16  }
.Ltmp0:
0x10: {  	(pc) =	sbr.rel @p0 .LBB2_2-.Ltmp0, $2  }
0x11: {  	_ =	sdelay $0x2  }
0x12: {  	s18 =	sand.u32 $0x70, s18;
	[tilespmem:s17+$0x0] =	vst v0  }
0x13: {  	[tilespmem:s18+$0x80] =	vst v1;
	p1 =	sne.s32 s8, $0x1  }
0x14: {  	[spmem:s5] =	stream.linear.scatter [tilespmem:s10], [sflag:$0x1], $0x280, $0x38;
	[tilespmem:$0x600] =	vst v63  }
.Ltmp1:
0x15: {  	_ =	swait.ge [sflag:s11], $0x280;
	(pc) =	sbr.rel @!p1 .LBB2_6-.Ltmp1, $4  }
0x16: {  	[sflag:s11] =	ssyncset.done $0x0  }
0x17: {  	[sflag:s11] =	ssyncadd.s32 $0xFFFFFD80  }
0x18: {  	[bflag:$0x0] =	sbarrier.arrive $0xFFFF  }
0x19: {  	s16 =	sadd.s32 $0xFFFFFFFF, s8;
	s18 =	sshrl.u32 s9, $0x3;
	p0 =	por $0x0, $0x0  }
0x1a: {  	s17 =	sadd.s32 s4, s18  }
0x1b: {  	[tilespmem:s3], [sflag:$0x1] =	stream.linear.gather [hbm4b:s17+s3], $0x80, $0x38;
	[tilespmem:$0x600] =	vst v63  }
0x1c: {  	p1 =	sne.s32 s16, $0x1;
	_ =	swait.ge [sflag:s11], $0x80  }
.Ltmp2:
0x1d: {  	[sflag:s11] =	ssyncset.done $0x0;
	(pc) =	sbr.rel @!p1 .LBB2_6-.Ltmp2, $4  }
0x1e: {  	[sflag:s11] =	ssyncadd.s32 $0xFFFFFF80  }
0x1f: {  	[spmem:s2] =	stream.indirect.scatter.add.f32 [tilespmem:s12], [sflag:$0x1], $0x1, s3, s12, $0xb8;
	[tilespmem:$0x600] =	vst v63  }
0x20: {  	s16 =	sadd.s32 $0xFFFFFFFF, s16;
	s17 =	sadd.s32 $0x1000, s9;
	_ =	swait.ge [sflag:s11], $0x80  }
0x21: {  	p0 =	por $0x1, $0x1;
	s18 =	sshrl.u32 s17, $0x3;
	[sflag:s11] =	ssyncset.done $0x0  }
.LBB2_5:
0x22: {  	p1 =	sne.s32 s16, $0x1;
	s18 =	sadd.s32 s4, s18;
	[sflag:s11] =	ssyncadd.s32 $0xFFFFFF80  }
0x23: {  	[tilespmem:s3], [sflag:$0x1] =	stream.linear.gather [hbm4b:s18+s3], $0x80, $0x38;
	[tilespmem:$0x600] =	vst v63  }
0x24: {  	s16 =	sadd.s32 $0xFFFFFFFF, s16;
	_ =	swait.ge [sflag:s11], $0x80  }
.Ltmp3:
0x25: {  	[sflag:s11] =	ssyncset.done $0x0;
	(pc) =	sbr.rel @p1 .LBB2_5-.Ltmp3, $4  }
0x26: {  	[sflag:s11] =	ssyncadd.s32 $0xFFFFFF80  }
0x27: {  	[spmem:s2] =	stream.indirect.scatter.add.f32 [tilespmem:s12], [sflag:$0x1], $0x1, s3, s12, $0xb8;
	[tilespmem:$0x600] =	vst v63  }
0x28: {  	s17 =	sadd.s32 $0x1000, s17;
	_ =	swait.ge [sflag:s11], $0x80  }
0x29: {  	s18 =	sshrl.u32 s17, $0x3;
	[sflag:s11] =	ssyncset.done $0x0  }
.LBB2_6:
0x2a: {  	s16 =	sadd.s32 s4, s18;
	[sflag:s11] =	ssyncadd.s32 @p0 $0xFFFFFF80  }
0x2b: {  	[tilespmem:s3], [sflag:$0x1] =	stream.linear.gather [hbm4b:s16+s3], $0x80, $0x38;
	[tilespmem:$0x600] =	vst v63  }
0x2c: {  	_ =	swait.ge [sflag:s11], $0x80  }
0x2d: {  	[sflag:s11] =	ssyncset.done $0x0  }
0x2e: {  	[sflag:s11] =	ssyncadd.s32 $0xFFFFFF80  }
0x2f: {  	[spmem:s2] =	stream.indirect.scatter.add.f32 [tilespmem:s12], [sflag:$0x1], $0x1, s3, s12, $0xb8;
	[tilespmem:$0x600] =	vst v63  }
0x30: {  	_ =	swait.ge [sflag:s11], $0x80  }
0x31: {  	s15 =	sadd.s32 $0x1, s15;
	[sflag:s11] =	ssyncset.done $0x0  }
0x32: {  	p0 =	sne.s32 s15, s7;
	[sflag:s11] =	ssyncadd.s32 $0xFFFFFF80  }
.Ltmp4:
0x33: {  	[bflag:$0x0] =	sbarrier.arrive $0xFFFF;
	(pc) =	sbr.rel @p0 .LBB2_1-.Ltmp4, $4  }
0x34: {  	[hbm:s6], [sflag:s13] =	dma.local [spmem:s14], $0x50  }
0x35: {  	_ =	swait.ge [sflag:s11], $0x50  }
0x36: {  	[sflag:s11] =	ssyncset.done $0x0  }
0x37: {  	[sflag:s11] =	ssyncadd.s32 $0xFFFFFFB0  }
0x38: {  	_ =	sfence.sel $0x180000  }
0x39: {  	[bflag:$0x0] =	sbarrier.arrive $0xFFFF  }
0x3a: {  	p0 =	sne.s32 s0, $0x0;
	_ =	strace $0x90000047  }
0x3b: {  	s0 =	sadd.s32 @!p0 $0x100000, s1;
	[bflag:$0x2] =	sbarrier.arrive $0xFFFF  }
0x3c: {  	[sflag:s0] =	ssyncadd.tile.s32 @!p0 $0x1;
	_ =	shalt  }
.Lfunc_end2:
_tile_overlayer_lowered:
.L_overlay_start_2:
0x3d: {  	(tag) =	ssettag $0x2  }
0x3e: {  	s0 =	rddreg [dreg:$0x0];
	s2 =	stileid.u32  }
0x3f: {  	s1 =	rddreg [dreg:$0x1];
	p0 =	sne.s32 s2, $0x0  }
0x40: {  	s3 =	rddreg [dreg:$0x2];
	[bflag:$0x3] =	sbarrier.arrive $0xFFFF;
	s2 =	simm.s32 @!p0 $0x1C01  }
0x41: {  	[timem:s3], [sflag:s2] =	dma.local @!p0 [hbm:s0], s1  }
0x42: {  	s0 =	simm.s32 @!p0 $0x1  }
0x43: {  	_ =	swait.ge @!p0 [sflag:s0], s1  }
0x44: {  	s1 =	ssub.s32 @!p0 $0x0, s1;
	[sflag:s0] =	ssyncset.done @!p0 $0x0  }
0x45: {  	[sflag:s0] =	ssyncadd.s32 @!p0 s1  }
0x46: {  	[bflag:$0x3] =	sbarrier.arrive $0xFFFF  }
0x47: {  	_ =	shalt  }

</sc_bundles>
